<compile_context>
chip_gen: v7x
topology: tpu7x:2x2x1
jax: 0.10.2.dev20260603
libtpu: 0.0.44.dev20260713+nightly
codegen_flags: <defaults>
</compile_context>

<pallas_src>
import functools

import jax
import jax.numpy as jnp
from jax import lax
from jax.experimental import pallas as pl
from jax.experimental.pallas import tpu as pltpu
from jax.experimental.pallas import tpu_sc as plsc

_BATCH = 4096
_FCHUNK = 100
_NCHUNK = 4
_ROW_W = 12928
_NSLOT = 2
_SROWS = 4
_ROW_EMB = 404


def _sc_embed(cidx2, obsesF, ctab2, ftab):
    info = plsc.get_sparse_core_info()
    nw = info.num_cores * info.num_subcores
    rows_per_w = _BATCH // nw
    slots_per_w = rows_per_w // _SROWS
    iters = slots_per_w // _NSLOT

    mesh = plsc.VectorSubcoreMesh(core_axis_name="c", subcore_axis_name="s")

    @functools.partial(
        pl.kernel,
        mesh=mesh,
        out_type=jax.ShapeDtypeStruct((_BATCH * _ROW_EMB, 32), jnp.float32),
        compiler_params=pltpu.CompilerParams(use_tc_tiling_on_sc=False),
        scratch_types=[
            pltpu.VMEM((rows_per_w, 4), jnp.int32),
            [pltpu.VMEM((_SROWS * _NCHUNK, _FCHUNK), jnp.int32)] * _NSLOT,
            [pltpu.VMEM((_SROWS * _ROW_EMB, 32), jnp.float32)] * _NSLOT,
            [pltpu.SemaphoreType.DMA] * _NSLOT,
            [pltpu.SemaphoreType.DMA] * _NSLOT,
            [pltpu.SemaphoreType.DMA] * _NSLOT,
        ],
    )
    def k(cidx_hbm, oidx_hbm, ctab_hbm, ftab_hbm, out_hbm,
          cidx_v, oidx_s, fbuf_s, gsem_s, isem_s, wsem_s):
        cid = lax.axis_index("c")
        sid = lax.axis_index("s")
        wid = sid * info.num_cores + cid
        base = wid * rows_per_w
        qbase = wid * slots_per_w

        pltpu.sync_copy(cidx_hbm.at[pl.ds(base, rows_per_w), :], cidx_v)
        for s in range(_NSLOT):
            pltpu.async_copy(
                oidx_hbm.at[pl.ds(_SROWS * _NCHUNK * (qbase + s),
                                  _SROWS * _NCHUNK), :],
                oidx_s[s], isem_s[s])

        def issue_gathers(s, q):
            for r in range(_SROWS):
                pltpu.async_copy(
                    ctab_hbm.at[cidx_v.at[_SROWS * q + r]],
                    fbuf_s[s].at[pl.ds(r * _ROW_EMB, 4)], gsem_s[s])
                for j in range(_NCHUNK):
                    pltpu.async_copy(
                        ftab_hbm.at[oidx_s[s].at[r * _NCHUNK + j]],
                        fbuf_s[s].at[pl.ds(r * _ROW_EMB + 4 + _FCHUNK * j,
                                           _FCHUNK)], gsem_s[s])

        def body(t, carry):
            for s in range(_NSLOT):
                q = _NSLOT * t + s
                row0 = (base + _SROWS * q) * _ROW_EMB

                @pl.when(t > 0)
                def _():
                    pltpu.make_async_copy(
                        fbuf_s[s],
                        out_hbm.at[pl.ds(row0, _SROWS * _ROW_EMB), :],
                        wsem_s[s]).wait()

                pltpu.make_async_copy(
                    oidx_hbm.at[pl.ds(_SROWS * _NCHUNK * (qbase + q),
                                      _SROWS * _NCHUNK), :],
                    oidx_s[s], isem_s[s]).wait()
                issue_gathers(s, q)
            for s in range(_NSLOT):
                q = _NSLOT * t + s
                row0 = (base + _SROWS * q) * _ROW_EMB
                pltpu.make_async_copy(
                    out_hbm.at[pl.ds(row0, _SROWS * _ROW_EMB), :],
                    fbuf_s[s], gsem_s[s]).wait()
                pltpu.async_copy(
                    fbuf_s[s], out_hbm.at[pl.ds(row0, _SROWS * _ROW_EMB), :],
                    wsem_s[s])
                qn = jnp.minimum(q + _NSLOT, slots_per_w - 1)
                pltpu.async_copy(
                    oidx_hbm.at[pl.ds(_SROWS * _NCHUNK * (qbase + qn),
                                      _SROWS * _NCHUNK), :],
                    oidx_s[s], isem_s[s])
            return carry

        lax.fori_loop(0, iters, body, 0)

        for s in range(_NSLOT):
            q = _NSLOT * (iters - 1) + s
            row0 = (base + _SROWS * q) * _ROW_EMB
            pltpu.make_async_copy(
                oidx_hbm.at[pl.ds(_SROWS * _NCHUNK * (qbase + q),
                                  _SROWS * _NCHUNK), :],
                oidx_s[s], isem_s[s]).wait()
            pltpu.make_async_copy(
                fbuf_s[s], out_hbm.at[pl.ds(row0, _SROWS * _ROW_EMB), :],
                wsem_s[s]).wait()

    return k(cidx2, obsesF, ctab2, ftab)


def kernel(coords, obses, coord_table, field_table):
    batch = coords.shape[0]
    info = plsc.get_sparse_core_info()
    nw = info.num_cores * info.num_subcores
    rows_per_w = batch // nw
    ftabR = jnp.tile(field_table, (nw, 1))
    biasF = (jnp.arange(batch * _NCHUNK, dtype=jnp.int32)
             // (rows_per_w * _NCHUNK)) * field_table.shape[0]
    obsesF = obses.reshape(batch * _NCHUNK, _FCHUNK) + biasF[:, None]
    ctab2 = coord_table.reshape(-1, 32)
    cidx2 = (2 * coords[:, :, None]
             + jnp.arange(2, dtype=jnp.int32)[None, None, :]).reshape(batch, 4)
    out = _sc_embed(cidx2, obsesF, ctab2, ftabR)
    return out.reshape(batch, _ROW_W)

# --- scband reference (transcript-rebuilt; emitter-appended) ---
"""Pipeline reference for scband-state-preprocessor-50130858279869 (READ-ONLY COPY).

The authoritative reference and input builder live on the scoring server;
editing this copy changes nothing except your own understanding.
"""

import jax, jax.numpy as jnp
import numpy as np

BATCH = 4096
COORD_RANGE = 100000
FIELD_RANGE = 1000
COORD_DIM = 64
FIELD_DIM = 32
RF = 20


def setup_inputs(seed: int = 0) -> dict:
    key = jax.random.key(seed)
    k1, k2, k3, k4 = jax.random.split(key, 4)
    coords = jax.random.randint(k1, (BATCH, 2), 0, COORD_RANGE, dtype=jnp.int32)
    obses = jax.random.randint(k2, (BATCH, RF, RF), 0, FIELD_RANGE, dtype=jnp.int32)
    coord_table = jax.random.normal(k3, (COORD_RANGE, COORD_DIM), dtype=jnp.float32)
    field_table = jax.random.normal(k4, (FIELD_RANGE, FIELD_DIM), dtype=jnp.float32)
    return {"coords": coords, "obses": obses, "coord_table": coord_table, "field_table": field_table}


def reference(coords, obses, coord_table, field_table):
    batch_size = coords.shape[0]
    coords_emb = jnp.take(coord_table, coords, axis=0).reshape(batch_size, -1)
    field_emb = jnp.take(field_table, obses.reshape(batch_size, -1), axis=0).reshape(batch_size, -1)
    return jnp.concatenate([coords_emb, field_emb], axis=1)

if __name__ == "__main__":
    import jax
    _d = setup_inputs()
    print(jax.jit(kernel)(*tuple(_d.values())))

</pallas_src>

<mosaic_0001>
#map = affine_map<(d0, d1) -> (0, 0)>
module attributes {stable_mosaic.version = 14 : i64} {
  func.func @k(%arg0: i32, %arg1: i32, %arg2: memref<4096x4xi32, #tpu.memory_space<hbm>>, %arg3: memref<16384x100xi32, #tpu.memory_space<hbm>>, %arg4: memref<200000x32xf32, #tpu.memory_space<hbm>>, %arg5: memref<32000x32xf32, #tpu.memory_space<hbm>>, %arg6: memref<1654784x32xf32, #tpu.memory_space<hbm>>, %arg7: memref<128x4xi32, #tpu.memory_space<vmem>>, %arg8: memref<16x100xi32, #tpu.memory_space<vmem>>, %arg9: memref<16x100xi32, #tpu.memory_space<vmem>>, %arg10: memref<1616x32xf32, #tpu.memory_space<vmem>>, %arg11: memref<1616x32xf32, #tpu.memory_space<vmem>>, %arg12: memref<!tpu.dma_semaphore, #tpu.memory_space<semaphore_mem>>, %arg13: memref<!tpu.dma_semaphore, #tpu.memory_space<semaphore_mem>>, %arg14: memref<!tpu.dma_semaphore, #tpu.memory_space<semaphore_mem>>, %arg15: memref<!tpu.dma_semaphore, #tpu.memory_space<semaphore_mem>>, %arg16: memref<!tpu.dma_semaphore, #tpu.memory_space<semaphore_mem>>, %arg17: memref<!tpu.dma_semaphore, #tpu.memory_space<semaphore_mem>>) attributes {dimension_semantics = [#tpu.dimension_semantics<core_parallel>, #tpu.dimension_semantics<subcore_parallel>], iteration_bounds = array<i64: 2, 16>, scalar_prefetch = 0 : i64, scratch_operands = 11 : i64, tpu.core_type = #tpu.core_type<sc_vector_subcore>, window_params = [{transform_indices = #map}, {transform_indices = #map}, {transform_indices = #map}, {transform_indices = #map}, {transform_indices = #map}]} {
    %mul3A = arith.constant 2 : i32
    %mul3A_0 = arith.muli %arg1, %mul3A : i32
    %add3A = arith.addi %mul3A_0, %arg0 : i32
    %mul3A_1 = arith.constant 128 : i32
    %mul3A_2 = arith.muli %add3A, %mul3A_1 : i32
    %mul3A_3 = arith.constant 32 : i32
    %mul3A_4 = arith.muli %add3A, %mul3A_3 : i32
    "tpu.region"() ({
      %run_scoped3A = tpu.sem_alloc : memref<!tpu.dma_semaphore, #tpu.memory_space<semaphore_mem>>
      %dma_start3A_56 = arith.constant 0 : i32
      %dma_start3A_57 = tpu.memref_slice %arg2[%mul3A_2, %dma_start3A_56] : memref<4096x4xi32, #tpu.memory_space<hbm>> -> memref<128x4xi32, #tpu.memory_space<hbm>>
      %dma_start3A_58 = arith.constant 0 : i32
      %dma_start3A_59 = tpu.memref_slice %arg2[%mul3A_2, %dma_start3A_58] : memref<4096x4xi32, #tpu.memory_space<hbm>> -> memref<128x4xi32, #tpu.memory_space<hbm>>
      tpu.enqueue_dma source(%dma_start3A_59 : memref<128x4xi32, #tpu.memory_space<hbm>>) target(%arg7 : memref<128x4xi32, #tpu.memory_space<vmem>>) target_semaphore(%run_scoped3A : memref<!tpu.dma_semaphore, #tpu.memory_space<semaphore_mem>>)
      %dma_wait3A_60 = arith.constant 0 : i32
      %dma_wait3A_61 = tpu.memref_slice %arg2[%mul3A_2, %dma_wait3A_60] : memref<4096x4xi32, #tpu.memory_space<hbm>> -> memref<128x4xi32, #tpu.memory_space<hbm>>
      %dma_wait3A_62 = arith.constant 0 : i32
      %dma_wait3A_63 = tpu.memref_slice %arg2[%mul3A_2, %dma_wait3A_62] : memref<4096x4xi32, #tpu.memory_space<hbm>> -> memref<128x4xi32, #tpu.memory_space<hbm>>
      tpu.wait_dma2 semaphore(%run_scoped3A : memref<!tpu.dma_semaphore, #tpu.memory_space<semaphore_mem>>) src(%dma_wait3A_63 : memref<128x4xi32, #tpu.memory_space<hbm>>) dst(%arg7 : memref<128x4xi32, #tpu.memory_space<vmem>>)
      tpu.yield
    }) : () -> ()
    %add3A_5 = arith.constant 0 : i32
    %add3A_6 = arith.addi %mul3A_4, %add3A_5 : i32
    %mul3A_7 = arith.constant 16 : i32
    %mul3A_8 = arith.muli %mul3A_7, %add3A_6 : i32
    %dma_start3A = arith.constant 0 : i32
    %dma_start3A_9 = tpu.memref_slice %arg3[%mul3A_8, %dma_start3A] : memref<16384x100xi32, #tpu.memory_space<hbm>> -> memref<16x100xi32, #tpu.memory_space<hbm>>
    %dma_start3A_10 = arith.constant 0 : i32
    %dma_start3A_11 = tpu.memref_slice %arg3[%mul3A_8, %dma_start3A_10] : memref<16384x100xi32, #tpu.memory_space<hbm>> -> memref<16x100xi32, #tpu.memory_space<hbm>>
    tpu.enqueue_dma source(%dma_start3A_11 : memref<16x100xi32, #tpu.memory_space<hbm>>) target(%arg8 : memref<16x100xi32, #tpu.memory_space<vmem>>) target_semaphore(%arg14 : memref<!tpu.dma_semaphore, #tpu.memory_space<semaphore_mem>>)
    %add3A_12 = arith.constant 1 : i32
    %add3A_13 = arith.addi %mul3A_4, %add3A_12 : i32
    %mul3A_14 = arith.constant 16 : i32
    %mul3A_15 = arith.muli %mul3A_14, %add3A_13 : i32
    %dma_start3A_16 = arith.constant 0 : i32
    %dma_start3A_17 = tpu.memref_slice %arg3[%mul3A_15, %dma_start3A_16] : memref<16384x100xi32, #tpu.memory_space<hbm>> -> memref<16x100xi32, #tpu.memory_space<hbm>>
    %dma_start3A_18 = arith.constant 0 : i32
    %dma_start3A_19 = tpu.memref_slice %arg3[%mul3A_15, %dma_start3A_18] : memref<16384x100xi32, #tpu.memory_space<hbm>> -> memref<16x100xi32, #tpu.memory_space<hbm>>
    tpu.enqueue_dma source(%dma_start3A_19 : memref<16x100xi32, #tpu.memory_space<hbm>>) target(%arg9 : memref<16x100xi32, #tpu.memory_space<vmem>>) target_semaphore(%arg15 : memref<!tpu.dma_semaphore, #tpu.memory_space<semaphore_mem>>)
    %scan3A = arith.constant 0 : i32
    %scan3A_20 = arith.constant 0 : i32
    %scan3A_21 = arith.constant 16 : i32
    %scan3A_22 = arith.addi %scan3A_20, %scan3A_21 : i32
    %scan3A_23 = arith.constant 1 : i32
    scf.for %scan3A_56 = %scan3A_20 to %scan3A_22 step %scan3A_23  : i32 {
      %mul3A_57 = arith.constant 2 : i32
      %mul3A_58 = arith.muli %mul3A_57, %scan3A_56 : i32
      %add3A_59 = arith.constant 0 : i32
      %add3A_60 = arith.addi %mul3A_58, %add3A_59 : i32
      %mul3A_61 = arith.constant 4 : i32
      %mul3A_62 = arith.muli %mul3A_61, %add3A_60 : i32
      %add3A_63 = arith.addi %mul3A_2, %mul3A_62 : i32
      %mul3A_64 = arith.constant 404 : i32
      %mul3A_65 = arith.muli %add3A_63, %mul3A_64 : i32
      %gt3A = arith.constant 0 : i32
      %gt3A_66 = arith.cmpi sgt, %scan3A_56, %gt3A : i32
      %convert_element_type3A = arith.extui %gt3A_66 : i1 to i32
      %cond3A = arith.constant 0 : i32
      %cond3A_67 = arith.cmpi ne, %convert_element_type3A, %cond3A : i32
      scf.if %cond3A_67 {
        %dma_wait3A_575 = arith.constant 0 : i32
        %dma_wait3A_576 = tpu.memref_slice %arg6[%mul3A_65, %dma_wait3A_575] : memref<1654784x32xf32, #tpu.memory_space<hbm>> -> memref<1616x32xf32, #tpu.memory_space<hbm>>
        %dma_wait3A_577 = arith.constant 0 : i32
        %dma_wait3A_578 = tpu.memref_slice %arg6[%mul3A_65, %dma_wait3A_577] : memref<1654784x32xf32, #tpu.memory_space<hbm>> -> memref<1616x32xf32, #tpu.memory_space<hbm>>
        tpu.wait_dma2 semaphore(%arg16 : memref<!tpu.dma_semaphore, #tpu.memory_space<semaphore_mem>>) src(%arg10 : memref<1616x32xf32, #tpu.memory_space<vmem>>) dst(%dma_wait3A_578 : memref<1616x32xf32, #tpu.memory_space<hbm>>)
      } else {
      }
      %add3A_68 = arith.addi %mul3A_4, %add3A_60 : i32
      %mul3A_69 = arith.constant 16 : i32
      %mul3A_70 = arith.muli %mul3A_69, %add3A_68 : i32
      %dma_wait3A_71 = arith.constant 0 : i32
      %dma_wait3A_72 = tpu.memref_slice %arg3[%mul3A_70, %dma_wait3A_71] : memref<16384x100xi32, #tpu.memory_space<hbm>> -> memref<16x100xi32, #tpu.memory_space<hbm>>
      %dma_wait3A_73 = arith.constant 0 : i32
      %dma_wait3A_74 = tpu.memref_slice %arg3[%mul3A_70, %dma_wait3A_73] : memref<16384x100xi32, #tpu.memory_space<hbm>> -> memref<16x100xi32, #tpu.memory_space<hbm>>
      tpu.wait_dma2 semaphore(%arg14 : memref<!tpu.dma_semaphore, #tpu.memory_space<semaphore_mem>>) src(%dma_wait3A_74 : memref<16x100xi32, #tpu.memory_space<hbm>>) dst(%arg8 : memref<16x100xi32, #tpu.memory_space<vmem>>)
      %mul3A_75 = arith.constant 4 : i32
      %mul3A_76 = arith.muli %mul3A_75, %add3A_60 : i32
      %add3A_77 = arith.constant 0 : i32
      %add3A_78 = arith.addi %mul3A_76, %add3A_77 : i32
      %dma_start3A_79 = arith.constant 0 : i32
      %dma_start3A_80 = arith.constant 0 : i32
      %dma_start3A_81 = tpu.memref_slice %arg10[%dma_start3A_79, %dma_start3A_80] : memref<1616x32xf32, #tpu.memory_space<vmem>> -> memref<4x32xf32, #tpu.memory_space<vmem>>
      %dma_start3A_82 = arith.constant 0 : i32
      %dma_start3A_83 = tpu.memref_slice %arg7[%add3A_78, %dma_start3A_82] : memref<128x4xi32, #tpu.memory_space<vmem>> -> memref<1x4xi32, #tpu.memory_space<vmem>>
      %dma_start3A_84 = tpu.memref_squeeze %dma_start3A_83 : memref<1x4xi32, #tpu.memory_space<vmem>> -> memref<4xi32, #tpu.memory_space<vmem>>
      %dma_start3A_85 = arith.constant 0 : i32
      %dma_start3A_86 = arith.constant 0 : i32
      %dma_start3A_87 = tpu.memref_slice %arg4[%dma_start3A_85, %dma_start3A_86] : memref<200000x32xf32, #tpu.memory_space<hbm>> -> memref<200000x32xf32, #tpu.memory_space<hbm>>
      tpu.enqueue_indirect_dma source(%dma_start3A_87 : memref<200000x32xf32, #tpu.memory_space<hbm>>) target(%dma_start3A_81 : memref<4x32xf32, #tpu.memory_space<vmem>>) offsets(%dma_start3A_84 : memref<4xi32, #tpu.memory_space<vmem>>) semaphore(%arg12 : memref<!tpu.dma_semaphore, #tpu.memory_space<semaphore_mem>>)
      %dma_start3A_88 = arith.constant 0 : i32
      %dma_start3A_89 = arith.constant 4 : i32
      %dma_start3A_90 = arith.constant 0 : i32
      %dma_start3A_91 = tpu.memref_slice %arg10[%dma_start3A_89, %dma_start3A_90] : memref<1616x32xf32, #tpu.memory_space<vmem>> -> memref<100x32xf32, #tpu.memory_space<vmem>>
      %dma_start3A_92 = arith.constant 0 : i32
      %dma_start3A_93 = tpu.memref_slice %arg8[%dma_start3A_88, %dma_start3A_92] : memref<16x100xi32, #tpu.memory_space<vmem>> -> memref<1x100xi32, #tpu.memory_space<vmem>>
      %dma_start3A_94 = tpu.memref_squeeze %dma_start3A_93 : memref<1x100xi32, #tpu.memory_space<vmem>> -> memref<100xi32, #tpu.memory_space<vmem>>
      %dma_start3A_95 = arith.constant 0 : i32
      %dma_start3A_96 = arith.constant 0 : i32
      %dma_start3A_97 = tpu.memref_slice %arg5[%dma_start3A_95, %dma_start3A_96] : memref<32000x32xf32, #tpu.memory_space<hbm>> -> memref<32000x32xf32, #tpu.memory_space<hbm>>
      tpu.enqueue_indirect_dma source(%dma_start3A_97 : memref<32000x32xf32, #tpu.memory_space<hbm>>) target(%dma_start3A_91 : memref<100x32xf32, #tpu.memory_space<vmem>>) offsets(%dma_start3A_94 : memref<100xi32, #tpu.memory_space<vmem>>) semaphore(%arg12 : memref<!tpu.dma_semaphore, #tpu.memory_space<semaphore_mem>>)
      %dma_start3A_98 = arith.constant 1 : i32
      %dma_start3A_99 = arith.constant 104 : i32
      %dma_start3A_100 = arith.constant 0 : i32
      %dma_start3A_101 = tpu.memref_slice %arg10[%dma_start3A_99, %dma_start3A_100] : memref<1616x32xf32, #tpu.memory_space<vmem>> -> memref<100x32xf32, #tpu.memory_space<vmem>>
      %dma_start3A_102 = arith.constant 0 : i32
      %dma_start3A_103 = tpu.memref_slice %arg8[%dma_start3A_98, %dma_start3A_102] : memref<16x100xi32, #tpu.memory_space<vmem>> -> memref<1x100xi32, #tpu.memory_space<vmem>>
      %dma_start3A_104 = tpu.memref_squeeze %dma_start3A_103 : memref<1x100xi32, #tpu.memory_space<vmem>> -> memref<100xi32, #tpu.memory_space<vmem>>
      %dma_start3A_105 = arith.constant 0 : i32
      %dma_start3A_106 = arith.constant 0 : i32
      %dma_start3A_107 = tpu.memref_slice %arg5[%dma_start3A_105, %dma_start3A_106] : memref<32000x32xf32, #tpu.memory_space<hbm>> -> memref<32000x32xf32, #tpu.memory_space<hbm>>
      tpu.enqueue_indirect_dma source(%dma_start3A_107 : memref<32000x32xf32, #tpu.memory_space<hbm>>) target(%dma_start3A_101 : memref<100x32xf32, #tpu.memory_space<vmem>>) offsets(%dma_start3A_104 : memref<100xi32, #tpu.memory_space<vmem>>) semaphore(%arg12 : memref<!tpu.dma_semaphore, #tpu.memory_space<semaphore_mem>>)
      %dma_start3A_108 = arith.constant 2 : i32
      %dma_start3A_109 = arith.constant 204 : i32
      %dma_start3A_110 = arith.constant 0 : i32
      %dma_start3A_111 = tpu.memref_slice %arg10[%dma_start3A_109, %dma_start3A_110] : memref<1616x32xf32, #tpu.memory_space<vmem>> -> memref<100x32xf32, #tpu.memory_space<vmem>>
      %dma_start3A_112 = arith.constant 0 : i32
      %dma_start3A_113 = tpu.memref_slice %arg8[%dma_start3A_108, %dma_start3A_112] : memref<16x100xi32, #tpu.memory_space<vmem>> -> memref<1x100xi32, #tpu.memory_space<vmem>>
      %dma_start3A_114 = tpu.memref_squeeze %dma_start3A_113 : memref<1x100xi32, #tpu.memory_space<vmem>> -> memref<100xi32, #tpu.memory_space<vmem>>
      %dma_start3A_115 = arith.constant 0 : i32
      %dma_start3A_116 = arith.constant 0 : i32
      %dma_start3A_117 = tpu.memref_slice %arg5[%dma_start3A_115, %dma_start3A_116] : memref<32000x32xf32, #tpu.memory_space<hbm>> -> memref<32000x32xf32, #tpu.memory_space<hbm>>
      tpu.enqueue_indirect_dma source(%dma_start3A_117 : memref<32000x32xf32, #tpu.memory_space<hbm>>) target(%dma_start3A_111 : memref<100x32xf32, #tpu.memory_space<vmem>>) offsets(%dma_start3A_114 : memref<100xi32, #tpu.memory_space<vmem>>) semaphore(%arg12 : memref<!tpu.dma_semaphore, #tpu.memory_space<semaphore_mem>>)
      %dma_start3A_118 = arith.constant 3 : i32
      %dma_start3A_119 = arith.constant 304 : i32
      %dma_start3A_120 = arith.constant 0 : i32
      %dma_start3A_121 = tpu.memref_slice %arg10[%dma_start3A_119, %dma_start3A_120] : memref<1616x32xf32, #tpu.memory_space<vmem>> -> memref<100x32xf32, #tpu.memory_space<vmem>>
      %dma_start3A_122 = arith.constant 0 : i32
      %dma_start3A_123 = tpu.memref_slice %arg8[%dma_start3A_118, %dma_start3A_122] : memref<16x100xi32, #tpu.memory_space<vmem>> -> memref<1x100xi32, #tpu.memory_space<vmem>>
      %dma_start3A_124 = tpu.memref_squeeze %dma_start3A_123 : memref<1x100xi32, #tpu.memory_space<vmem>> -> memref<100xi32, #tpu.memory_space<vmem>>
      %dma_start3A_125 = arith.constant 0 : i32
      %dma_start3A_126 = arith.constant 0 : i32
      %dma_start3A_127 = tpu.memref_slice %arg5[%dma_start3A_125, %dma_start3A_126] : memref<32000x32xf32, #tpu.memory_space<hbm>> -> memref<32000x32xf32, #tpu.memory_space<hbm>>
      tpu.enqueue_indirect_dma source(%dma_start3A_127 : memref<32000x32xf32, #tpu.memory_space<hbm>>) target(%dma_start3A_121 : memref<100x32xf32, #tpu.memory_space<vmem>>) offsets(%dma_start3A_124 : memref<100xi32, #tpu.memory_space<vmem>>) semaphore(%arg12 : memref<!tpu.dma_semaphore, #tpu.memory_space<semaphore_mem>>)
      %mul3A_128 = arith.constant 4 : i32
      %mul3A_129 = arith.muli %mul3A_128, %add3A_60 : i32
      %add3A_130 = arith.constant 1 : i32
      %add3A_131 = arith.addi %mul3A_129, %add3A_130 : i32
      %dma_start3A_132 = arith.constant 404 : i32
      %dma_start3A_133 = arith.constant 0 : i32
      %dma_start3A_134 = tpu.memref_slice %arg10[%dma_start3A_132, %dma_start3A_133] : memref<1616x32xf32, #tpu.memory_space<vmem>> -> memref<4x32xf32, #tpu.memory_space<vmem>>
      %dma_start3A_135 = arith.constant 0 : i32
      %dma_start3A_136 = tpu.memref_slice %arg7[%add3A_131, %dma_start3A_135] : memref<128x4xi32, #tpu.memory_space<vmem>> -> memref<1x4xi32, #tpu.memory_space<vmem>>
      %dma_start3A_137 = tpu.memref_squeeze %dma_start3A_136 : memref<1x4xi32, #tpu.memory_space<vmem>> -> memref<4xi32, #tpu.memory_space<vmem>>
      %dma_start3A_138 = arith.constant 0 : i32
      %dma_start3A_139 = arith.constant 0 : i32
      %dma_start3A_140 = tpu.memref_slice %arg4[%dma_start3A_138, %dma_start3A_139] : memref<200000x32xf32, #tpu.memory_space<hbm>> -> memref<200000x32xf32, #tpu.memory_space<hbm>>
      tpu.enqueue_indirect_dma source(%dma_start3A_140 : memref<200000x32xf32, #tpu.memory_space<hbm>>) target(%dma_start3A_134 : memref<4x32xf32, #tpu.memory_space<vmem>>) offsets(%dma_start3A_137 : memref<4xi32, #tpu.memory_space<vmem>>) semaphore(%arg12 : memref<!tpu.dma_semaphore, #tpu.memory_space<semaphore_mem>>)
      %dma_start3A_141 = arith.constant 4 : i32
      %dma_start3A_142 = arith.constant 408 : i32
      %dma_start3A_143 = arith.constant 0 : i32
      %dma_start3A_144 = tpu.memref_slice %arg10[%dma_start3A_142, %dma_start3A_143] : memref<1616x32xf32, #tpu.memory_space<vmem>> -> memref<100x32xf32, #tpu.memory_space<vmem>>
      %dma_start3A_145 = arith.constant 0 : i32
      %dma_start3A_146 = tpu.memref_slice %arg8[%dma_start3A_141, %dma_start3A_145] : memref<16x100xi32, #tpu.memory_space<vmem>> -> memref<1x100xi32, #tpu.memory_space<vmem>>
      %dma_start3A_147 = tpu.memref_squeeze %dma_start3A_146 : memref<1x100xi32, #tpu.memory_space<vmem>> -> memref<100xi32, #tpu.memory_space<vmem>>
      %dma_start3A_148 = arith.constant 0 : i32
      %dma_start3A_149 = arith.constant 0 : i32
      %dma_start3A_150 = tpu.memref_slice %arg5[%dma_start3A_148, %dma_start3A_149] : memref<32000x32xf32, #tpu.memory_space<hbm>> -> memref<32000x32xf32, #tpu.memory_space<hbm>>
      tpu.enqueue_indirect_dma source(%dma_start3A_150 : memref<32000x32xf32, #tpu.memory_space<hbm>>) target(%dma_start3A_144 : memref<100x32xf32, #tpu.memory_space<vmem>>) offsets(%dma_start3A_147 : memref<100xi32, #tpu.memory_space<vmem>>) semaphore(%arg12 : memref<!tpu.dma_semaphore, #tpu.memory_space<semaphore_mem>>)
      %dma_start3A_151 = arith.constant 5 : i32
      %dma_start3A_152 = arith.constant 508 : i32
      %dma_start3A_153 = arith.constant 0 : i32
      %dma_start3A_154 = tpu.memref_slice %arg10[%dma_start3A_152, %dma_start3A_153] : memref<1616x32xf32, #tpu.memory_space<vmem>> -> memref<100x32xf32, #tpu.memory_space<vmem>>
      %dma_start3A_155 = arith.constant 0 : i32
      %dma_start3A_156 = tpu.memref_slice %arg8[%dma_start3A_151, %dma_start3A_155] : memref<16x100xi32, #tpu.memory_space<vmem>> -> memref<1x100xi32, #tpu.memory_space<vmem>>
      %dma_start3A_157 = tpu.memref_squeeze %dma_start3A_156 : memref<1x100xi32, #tpu.memory_space<vmem>> -> memref<100xi32, #tpu.memory_space<vmem>>
      %dma_start3A_158 = arith.constant 0 : i32
      %dma_start3A_159 = arith.constant 0 : i32
      %dma_start3A_160 = tpu.memref_slice %arg5[%dma_start3A_158, %dma_start3A_159] : memref<32000x32xf32, #tpu.memory_space<hbm>> -> memref<32000x32xf32, #tpu.memory_space<hbm>>
      tpu.enqueue_indirect_dma source(%dma_start3A_160 : memref<32000x32xf32, #tpu.memory_space<hbm>>) target(%dma_start3A_154 : memref<100x32xf32, #tpu.memory_space<vmem>>) offsets(%dma_start3A_157 : memref<100xi32, #tpu.memory_space<vmem>>) semaphore(%arg12 : memref<!tpu.dma_semaphore, #tpu.memory_space<semaphore_mem>>)
      %dma_start3A_161 = arith.constant 6 : i32
      %dma_start3A_162 = arith.constant 608 : i32
      %dma_start3A_163 = arith.constant 0 : i32
      %dma_start3A_164 = tpu.memref_slice %arg10[%dma_start3A_162, %dma_start3A_163] : memref<1616x32xf32, #tpu.memory_space<vmem>> -> memref<100x32xf32, #tpu.memory_space<vmem>>
      %dma_start3A_165 = arith.constant 0 : i32
      %dma_start3A_166 = tpu.memref_slice %arg8[%dma_start3A_161, %dma_start3A_165] : memref<16x100xi32, #tpu.memory_space<vmem>> -> memref<1x100xi32, #tpu.memory_space<vmem>>
      %dma_start3A_167 = tpu.memref_squeeze %dma_start3A_166 : memref<1x100xi32, #tpu.memory_space<vmem>> -> memref<100xi32, #tpu.memory_space<vmem>>
      %dma_start3A_168 = arith.constant 0 : i32
      %dma_start3A_169 = arith.constant 0 : i32
      %dma_start3A_170 = tpu.memref_slice %arg5[%dma_start3A_168, %dma_start3A_169] : memref<32000x32xf32, #tpu.memory_space<hbm>> -> memref<32000x32xf32, #tpu.memory_space<hbm>>
      tpu.enqueue_indirect_dma source(%dma_start3A_170 : memref<32000x32xf32, #tpu.memory_space<hbm>>) target(%dma_start3A_164 : memref<100x32xf32, #tpu.memory_space<vmem>>) offsets(%dma_start3A_167 : memref<100xi32, #tpu.memory_space<vmem>>) semaphore(%arg12 : memref<!tpu.dma_semaphore, #tpu.memory_space<semaphore_mem>>)
      %dma_start3A_171 = arith.constant 7 : i32
      %dma_start3A_172 = arith.constant 708 : i32
      %dma_start3A_173 = arith.constant 0 : i32
      %dma_start3A_174 = tpu.memref_slice %arg10[%dma_start3A_172, %dma_start3A_173] : memref<1616x32xf32, #tpu.memory_space<vmem>> -> memref<100x32xf32, #tpu.memory_space<vmem>>
      %dma_start3A_175 = arith.constant 0 : i32
      %dma_start3A_176 = tpu.memref_slice %arg8[%dma_start3A_171, %dma_start3A_175] : memref<16x100xi32, #tpu.memory_space<vmem>> -> memref<1x100xi32, #tpu.memory_space<vmem>>
      %dma_start3A_177 = tpu.memref_squeeze %dma_start3A_176 : memref<1x100xi32, #tpu.memory_space<vmem>> -> memref<100xi32, #tpu.memory_space<vmem>>
      %dma_start3A_178 = arith.constant 0 : i32
      %dma_start3A_179 = arith.constant 0 : i32
      %dma_start3A_180 = tpu.memref_slice %arg5[%dma_start3A_178, %dma_start3A_179] : memref<32000x32xf32, #tpu.memory_space<hbm>> -> memref<32000x32xf32, #tpu.memory_space<hbm>>
      tpu.enqueue_indirect_dma source(%dma_start3A_180 : memref<32000x32xf32, #tpu.memory_space<hbm>>) target(%dma_start3A_174 : memref<100x32xf32, #tpu.memory_space<vmem>>) offsets(%dma_start3A_177 : memref<100xi32, #tpu.memory_space<vmem>>) semaphore(%arg12 : memref<!tpu.dma_semaphore, #tpu.memory_space<semaphore_mem>>)
      %mul3A_181 = arith.constant 4 : i32
      %mul3A_182 = arith.muli %mul3A_181, %add3A_60 : i32
      %add3A_183 = arith.constant 2 : i32
      %add3A_184 = arith.addi %mul3A_182, %add3A_183 : i32
      %dma_start3A_185 = arith.constant 808 : i32
      %dma_start3A_186 = arith.constant 0 : i32
      %dma_start3A_187 = tpu.memref_slice %arg10[%dma_start3A_185, %dma_start3A_186] : memref<1616x32xf32, #tpu.memory_space<vmem>> -> memref<4x32xf32, #tpu.memory_space<vmem>>
      %dma_start3A_188 = arith.constant 0 : i32
      %dma_start3A_189 = tpu.memref_slice %arg7[%add3A_184, %dma_start3A_188] : memref<128x4xi32, #tpu.memory_space<vmem>> -> memref<1x4xi32, #tpu.memory_space<vmem>>
      %dma_start3A_190 = tpu.memref_squeeze %dma_start3A_189 : memref<1x4xi32, #tpu.memory_space<vmem>> -> memref<4xi32, #tpu.memory_space<vmem>>
      %dma_start3A_191 = arith.constant 0 : i32
      %dma_start3A_192 = arith.constant 0 : i32
      %dma_start3A_193 = tpu.memref_slice %arg4[%dma_start3A_191, %dma_start3A_192] : memref<200000x32xf32, #tpu.memory_space<hbm>> -> memref<200000x32xf32, #tpu.memory_space<hbm>>
      tpu.enqueue_indirect_dma source(%dma_start3A_193 : memref<200000x32xf32, #tpu.memory_space<hbm>>) target(%dma_start3A_187 : memref<4x32xf32, #tpu.memory_space<vmem>>) offsets(%dma_start3A_190 : memref<4xi32, #tpu.memory_space<vmem>>) semaphore(%arg12 : memref<!tpu.dma_semaphore, #tpu.memory_space<semaphore_mem>>)
      %dma_start3A_194 = arith.constant 8 : i32
      %dma_start3A_195 = arith.constant 812 : i32
      %dma_start3A_196 = arith.constant 0 : i32
      %dma_start3A_197 = tpu.memref_slice %arg10[%dma_start3A_195, %dma_start3A_196] : memref<1616x32xf32, #tpu.memory_space<vmem>> -> memref<100x32xf32, #tpu.memory_space<vmem>>
      %dma_start3A_198 = arith.constant 0 : i32
      %dma_start3A_199 = tpu.memref_slice %arg8[%dma_start3A_194, %dma_start3A_198] : memref<16x100xi32, #tpu.memory_space<vmem>> -> memref<1x100xi32, #tpu.memory_space<vmem>>
      %dma_start3A_200 = tpu.memref_squeeze %dma_start3A_199 : memref<1x100xi32, #tpu.memory_space<vmem>> -> memref<100xi32, #tpu.memory_space<vmem>>
      %dma_start3A_201 = arith.constant 0 : i32
      %dma_start3A_202 = arith.constant 0 : i32
      %dma_start3A_203 = tpu.memref_slice %arg5[%dma_start3A_201, %dma_start3A_202] : memref<32000x32xf32, #tpu.memory_space<hbm>> -> memref<32000x32xf32, #tpu.memory_space<hbm>>
      tpu.enqueue_indirect_dma source(%dma_start3A_203 : memref<32000x32xf32, #tpu.memory_space<hbm>>) target(%dma_start3A_197 : memref<100x32xf32, #tpu.memory_space<vmem>>) offsets(%dma_start3A_200 : memref<100xi32, #tpu.memory_space<vmem>>) semaphore(%arg12 : memref<!tpu.dma_semaphore, #tpu.memory_space<semaphore_mem>>)
      %dma_start3A_204 = arith.constant 9 : i32
      %dma_start3A_205 = arith.constant 912 : i32
      %dma_start3A_206 = arith.constant 0 : i32
      %dma_start3A_207 = tpu.memref_slice %arg10[%dma_start3A_205, %dma_start3A_206] : memref<1616x32xf32, #tpu.memory_space<vmem>> -> memref<100x32xf32, #tpu.memory_space<vmem>>
      %dma_start3A_208 = arith.constant 0 : i32
      %dma_start3A_209 = tpu.memref_slice %arg8[%dma_start3A_204, %dma_start3A_208] : memref<16x100xi32, #tpu.memory_space<vmem>> -> memref<1x100xi32, #tpu.memory_space<vmem>>
      %dma_start3A_210 = tpu.memref_squeeze %dma_start3A_209 : memref<1x100xi32, #tpu.memory_space<vmem>> -> memref<100xi32, #tpu.memory_space<vmem>>
      %dma_start3A_211 = arith.constant 0 : i32
      %dma_start3A_212 = arith.constant 0 : i32
      %dma_start3A_213 = tpu.memref_slice %arg5[%dma_start3A_211, %dma_start3A_212] : memref<32000x32xf32, #tpu.memory_space<hbm>> -> memref<32000x32xf32, #tpu.memory_space<hbm>>
      tpu.enqueue_indirect_dma source(%dma_start3A_213 : memref<32000x32xf32, #tpu.memory_space<hbm>>) target(%dma_start3A_207 : memref<100x32xf32, #tpu.memory_space<vmem>>) offsets(%dma_start3A_210 : memref<100xi32, #tpu.memory_space<vmem>>) semaphore(%arg12 : memref<!tpu.dma_semaphore, #tpu.memory_space<semaphore_mem>>)
      %dma_start3A_214 = arith.constant 10 : i32
      %dma_start3A_215 = arith.constant 1012 : i32
      %dma_start3A_216 = arith.constant 0 : i32
      %dma_start3A_217 = tpu.memref_slice %arg10[%dma_start3A_215, %dma_start3A_216] : memref<1616x32xf32, #tpu.memory_space<vmem>> -> memref<100x32xf32, #tpu.memory_space<vmem>>
      %dma_start3A_218 = arith.constant 0 : i32
      %dma_start3A_219 = tpu.memref_slice %arg8[%dma_start3A_214, %dma_start3A_218] : memref<16x100xi32, #tpu.memory_space<vmem>> -> memref<1x100xi32, #tpu.memory_space<vmem>>
      %dma_start3A_220 = tpu.memref_squeeze %dma_start3A_219 : memref<1x100xi32, #tpu.memory_space<vmem>> -> memref<100xi32, #tpu.memory_space<vmem>>
      %dma_start3A_221 = arith.constant 0 : i32
      %dma_start3A_222 = arith.constant 0 : i32
      %dma_start3A_223 = tpu.memref_slice %arg5[%dma_start3A_221, %dma_start3A_222] : memref<32000x32xf32, #tpu.memory_space<hbm>> -> memref<32000x32xf32, #tpu.memory_space<hbm>>
      tpu.enqueue_indirect_dma source(%dma_start3A_223 : memref<32000x32xf32, #tpu.memory_space<hbm>>) target(%dma_start3A_217 : memref<100x32xf32, #tpu.memory_space<vmem>>) offsets(%dma_start3A_220 : memref<100xi32, #tpu.memory_space<vmem>>) semaphore(%arg12 : memref<!tpu.dma_semaphore, #tpu.memory_space<semaphore_mem>>)
      %dma_start3A_224 = arith.constant 11 : i32
      %dma_start3A_225 = arith.constant 1112 : i32
      %dma_start3A_226 = arith.constant 0 : i32
      %dma_start3A_227 = tpu.memref_slice %arg10[%dma_start3A_225, %dma_start3A_226] : memref<1616x32xf32, #tpu.memory_space<vmem>> -> memref<100x32xf32, #tpu.memory_space<vmem>>
      %dma_start3A_228 = arith.constant 0 : i32
      %dma_start3A_229 = tpu.memref_slice %arg8[%dma_start3A_224, %dma_start3A_228] : memref<16x100xi32, #tpu.memory_space<vmem>> -> memref<1x100xi32, #tpu.memory_space<vmem>>
      %dma_start3A_230 = tpu.memref_squeeze %dma_start3A_229 : memref<1x100xi32, #tpu.memory_space<vmem>> -> memref<100xi32, #tpu.memory_space<vmem>>
      %dma_start3A_231 = arith.constant 0 : i32
      %dma_start3A_232 = arith.constant 0 : i32
      %dma_start3A_233 = tpu.memref_slice %arg5[%dma_start3A_231, %dma_start3A_232] : memref<32000x32xf32, #tpu.memory_space<hbm>> -> memref<32000x32xf32, #tpu.memory_space<hbm>>
      tpu.enqueue_indirect_dma source(%dma_start3A_233 : memref<32000x32xf32, #tpu.memory_space<hbm>>) target(%dma_start3A_227 : memref<100x32xf32, #tpu.memory_space<vmem>>) offsets(%dma_start3A_230 : memref<100xi32, #tpu.memory_space<vmem>>) semaphore(%arg12 : memref<!tpu.dma_semaphore, #tpu.memory_space<semaphore_mem>>)
      %mul3A_234 = arith.constant 4 : i32
      %mul3A_235 = arith.muli %mul3A_234, %add3A_60 : i32
      %add3A_236 = arith.constant 3 : i32
      %add3A_237 = arith.addi %mul3A_235, %add3A_236 : i32
      %dma_start3A_238 = arith.constant 1212 : i32
      %dma_start3A_239 = arith.constant 0 : i32
      %dma_start3A_240 = tpu.memref_slice %arg10[%dma_start3A_238, %dma_start3A_239] : memref<1616x32xf32, #tpu.memory_space<vmem>> -> memref<4x32xf32, #tpu.memory_space<vmem>>
      %dma_start3A_241 = arith.constant 0 : i32
      %dma_start3A_242 = tpu.memref_slice %arg7[%add3A_237, %dma_start3A_241] : memref<128x4xi32, #tpu.memory_space<vmem>> -> memref<1x4xi32, #tpu.memory_space<vmem>>
      %dma_start3A_243 = tpu.memref_squeeze %dma_start3A_242 : memref<1x4xi32, #tpu.memory_space<vmem>> -> memref<4xi32, #tpu.memory_space<vmem>>
      %dma_start3A_244 = arith.constant 0 : i32
      %dma_start3A_245 = arith.constant 0 : i32
      %dma_start3A_246 = tpu.memref_slice %arg4[%dma_start3A_244, %dma_start3A_245] : memref<200000x32xf32, #tpu.memory_space<hbm>> -> memref<200000x32xf32, #tpu.memory_space<hbm>>
      tpu.enqueue_indirect_dma source(%dma_start3A_246 : memref<200000x32xf32, #tpu.memory_space<hbm>>) target(%dma_start3A_240 : memref<4x32xf32, #tpu.memory_space<vmem>>) offsets(%dma_start3A_243 : memref<4xi32, #tpu.memory_space<vmem>>) semaphore(%arg12 : memref<!tpu.dma_semaphore, #tpu.memory_space<semaphore_mem>>)
      %dma_start3A_247 = arith.constant 12 : i32
      %dma_start3A_248 = arith.constant 1216 : i32
      %dma_start3A_249 = arith.constant 0 : i32
      %dma_start3A_250 = tpu.memref_slice %arg10[%dma_start3A_248, %dma_start3A_249] : memref<1616x32xf32, #tpu.memory_space<vmem>> -> memref<100x32xf32, #tpu.memory_space<vmem>>
      %dma_start3A_251 = arith.constant 0 : i32
      %dma_start3A_252 = tpu.memref_slice %arg8[%dma_start3A_247, %dma_start3A_251] : memref<16x100xi32, #tpu.memory_space<vmem>> -> memref<1x100xi32, #tpu.memory_space<vmem>>
      %dma_start3A_253 = tpu.memref_squeeze %dma_start3A_252 : memref<1x100xi32, #tpu.memory_space<vmem>> -> memref<100xi32, #tpu.memory_space<vmem>>
      %dma_start3A_254 = arith.constant 0 : i32
      %dma_start3A_255 = arith.constant 0 : i32
      %dma_start3A_256 = tpu.memref_slice %arg5[%dma_start3A_254, %dma_start3A_255] : memref<32000x32xf32, #tpu.memory_space<hbm>> -> memref<32000x32xf32, #tpu.memory_space<hbm>>
      tpu.enqueue_indirect_dma source(%dma_start3A_256 : memref<32000x32xf32, #tpu.memory_space<hbm>>) target(%dma_start3A_250 : memref<100x32xf32, #tpu.memory_space<vmem>>) offsets(%dma_start3A_253 : memref<100xi32, #tpu.memory_space<vmem>>) semaphore(%arg12 : memref<!tpu.dma_semaphore, #tpu.memory_space<semaphore_mem>>)
      %dma_start3A_257 = arith.constant 13 : i32
      %dma_start3A_258 = arith.constant 1316 : i32
      %dma_start3A_259 = arith.constant 0 : i32
      %dma_start3A_260 = tpu.memref_slice %arg10[%dma_start3A_258, %dma_start3A_259] : memref<1616x32xf32, #tpu.memory_space<vmem>> -> memref<100x32xf32, #tpu.memory_space<vmem>>
      %dma_start3A_261 = arith.constant 0 : i32
      %dma_start3A_262 = tpu.memref_slice %arg8[%dma_start3A_257, %dma_start3A_261] : memref<16x100xi32, #tpu.memory_space<vmem>> -> memref<1x100xi32, #tpu.memory_space<vmem>>
      %dma_start3A_263 = tpu.memref_squeeze %dma_start3A_262 : memref<1x100xi32, #tpu.memory_space<vmem>> -> memref<100xi32, #tpu.memory_space<vmem>>
      %dma_start3A_264 = arith.constant 0 : i32
      %dma_start3A_265 = arith.constant 0 : i32
      %dma_start3A_266 = tpu.memref_slice %arg5[%dma_start3A_264, %dma_start3A_265] : memref<32000x32xf32, #tpu.memory_space<hbm>> -> memref<32000x32xf32, #tpu.memory_space<hbm>>
      tpu.enqueue_indirect_dma source(%dma_start3A_266 : memref<32000x32xf32, #tpu.memory_space<hbm>>) target(%dma_start3A_260 : memref<100x32xf32, #tpu.memory_space<vmem>>) offsets(%dma_start3A_263 : memref<100xi32, #tpu.memory_space<vmem>>) semaphore(%arg12 : memref<!tpu.dma_semaphore, #tpu.memory_space<semaphore_mem>>)
      %dma_start3A_267 = arith.constant 14 : i32
      %dma_start3A_268 = arith.constant 1416 : i32
      %dma_start3A_269 = arith.constant 0 : i32
      %dma_start3A_270 = tpu.memref_slice %arg10[%dma_start3A_268, %dma_start3A_269] : memref<1616x32xf32, #tpu.memory_space<vmem>> -> memref<100x32xf32, #tpu.memory_space<vmem>>
      %dma_start3A_271 = arith.constant 0 : i32
      %dma_start3A_272 = tpu.memref_slice %arg8[%dma_start3A_267, %dma_start3A_271] : memref<16x100xi32, #tpu.memory_space<vmem>> -> memref<1x100xi32, #tpu.memory_space<vmem>>
      %dma_start3A_273 = tpu.memref_squeeze %dma_start3A_272 : memref<1x100xi32, #tpu.memory_space<vmem>> -> memref<100xi32, #tpu.memory_space<vmem>>
      %dma_start3A_274 = arith.constant 0 : i32
      %dma_start3A_275 = arith.constant 0 : i32
      %dma_start3A_276 = tpu.memref_slice %arg5[%dma_start3A_274, %dma_start3A_275] : memref<32000x32xf32, #tpu.memory_space<hbm>> -> memref<32000x32xf32, #tpu.memory_space<hbm>>
      tpu.enqueue_indirect_dma source(%dma_start3A_276 : memref<32000x32xf32, #tpu.memory_space<hbm>>) target(%dma_start3A_270 : memref<100x32xf32, #tpu.memory_space<vmem>>) offsets(%dma_start3A_273 : memref<100xi32, #tpu.memory_space<vmem>>) semaphore(%arg12 : memref<!tpu.dma_semaphore, #tpu.memory_space<semaphore_mem>>)
      %dma_start3A_277 = arith.constant 15 : i32
      %dma_start3A_278 = arith.constant 1516 : i32
      %dma_start3A_279 = arith.constant 0 : i32
      %dma_start3A_280 = tpu.memref_slice %arg10[%dma_start3A_278, %dma_start3A_279] : memref<1616x32xf32, #tpu.memory_space<vmem>> -> memref<100x32xf32, #tpu.memory_space<vmem>>
      %dma_start3A_281 = arith.constant 0 : i32
      %dma_start3A_282 = tpu.memref_slice %arg8[%dma_start3A_277, %dma_start3A_281] : memref<16x100xi32, #tpu.memory_space<vmem>> -> memref<1x100xi32, #tpu.memory_space<vmem>>
      %dma_start3A_283 = tpu.memref_squeeze %dma_start3A_282 : memref<1x100xi32, #tpu.memory_space<vmem>> -> memref<100xi32, #tpu.memory_space<vmem>>
      %dma_start3A_284 = arith.constant 0 : i32
      %dma_start3A_285 = arith.constant 0 : i32
      %dma_start3A_286 = tpu.memref_slice %arg5[%dma_start3A_284, %dma_start3A_285] : memref<32000x32xf32, #tpu.memory_space<hbm>> -> memref<32000x32xf32, #tpu.memory_space<hbm>>
      tpu.enqueue_indirect_dma source(%dma_start3A_286 : memref<32000x32xf32, #tpu.memory_space<hbm>>) target(%dma_start3A_280 : memref<100x32xf32, #tpu.memory_space<vmem>>) offsets(%dma_start3A_283 : memref<100xi32, #tpu.memory_space<vmem>>) semaphore(%arg12 : memref<!tpu.dma_semaphore, #tpu.memory_space<semaphore_mem>>)
      %mul3A_287 = arith.constant 2 : i32
      %mul3A_288 = arith.muli %mul3A_287, %scan3A_56 : i32
      %add3A_289 = arith.constant 1 : i32
      %add3A_290 = arith.addi %mul3A_288, %add3A_289 : i32
      %mul3A_291 = arith.constant 4 : i32
      %mul3A_292 = arith.muli %mul3A_291, %add3A_290 : i32
      %add3A_293 = arith.addi %mul3A_2, %mul3A_292 : i32
      %mul3A_294 = arith.constant 404 : i32
      %mul3A_295 = arith.muli %add3A_293, %mul3A_294 : i32
      %gt3A_296 = arith.constant 0 : i32
      %gt3A_297 = arith.cmpi sgt, %scan3A_56, %gt3A_296 : i32
      %convert_element_type3A_298 = arith.extui %gt3A_297 : i1 to i32
      %cond3A_299 = arith.constant 0 : i32
      %cond3A_300 = arith.cmpi ne, %convert_element_type3A_298, %cond3A_299 : i32
      scf.if %cond3A_300 {
        %dma_wait3A_575 = arith.constant 0 : i32
        %dma_wait3A_576 = tpu.memref_slice %arg6[%mul3A_295, %dma_wait3A_575] : memref<1654784x32xf32, #tpu.memory_space<hbm>> -> memref<1616x32xf32, #tpu.memory_space<hbm>>
        %dma_wait3A_577 = arith.constant 0 : i32
        %dma_wait3A_578 = tpu.memref_slice %arg6[%mul3A_295, %dma_wait3A_577] : memref<1654784x32xf32, #tpu.memory_space<hbm>> -> memref<1616x32xf32, #tpu.memory_space<hbm>>
        tpu.wait_dma2 semaphore(%arg17 : memref<!tpu.dma_semaphore, #tpu.memory_space<semaphore_mem>>) src(%arg11 : memref<1616x32xf32, #tpu.memory_space<vmem>>) dst(%dma_wait3A_578 : memref<1616x32xf32, #tpu.memory_space<hbm>>)
      } else {
      }
      %add3A_301 = arith.addi %mul3A_4, %add3A_290 : i32
      %mul3A_302 = arith.constant 16 : i32
      %mul3A_303 = arith.muli %mul3A_302, %add3A_301 : i32
      %dma_wait3A_304 = arith.constant 0 : i32
      %dma_wait3A_305 = tpu.memref_slice %arg3[%mul3A_303, %dma_wait3A_304] : memref<16384x100xi32, #tpu.memory_space<hbm>> -> memref<16x100xi32, #tpu.memory_space<hbm>>
      %dma_wait3A_306 = arith.constant 0 : i32
      %dma_wait3A_307 = tpu.memref_slice %arg3[%mul3A_303, %dma_wait3A_306] : memref<16384x100xi32, #tpu.memory_space<hbm>> -> memref<16x100xi32, #tpu.memory_space<hbm>>
      tpu.wait_dma2 semaphore(%arg15 : memref<!tpu.dma_semaphore, #tpu.memory_space<semaphore_mem>>) src(%dma_wait3A_307 : memref<16x100xi32, #tpu.memory_space<hbm>>) dst(%arg9 : memref<16x100xi32, #tpu.memory_space<vmem>>)
      %mul3A_308 = arith.constant 4 : i32
      %mul3A_309 = arith.muli %mul3A_308, %add3A_290 : i32
      %add3A_310 = arith.constant 0 : i32
      %add3A_311 = arith.addi %mul3A_309, %add3A_310 : i32
      %dma_start3A_312 = arith.constant 0 : i32
      %dma_start3A_313 = arith.constant 0 : i32
      %dma_start3A_314 = tpu.memref_slice %arg11[%dma_start3A_312, %dma_start3A_313] : memref<1616x32xf32, #tpu.memory_space<vmem>> -> memref<4x32xf32, #tpu.memory_space<vmem>>
      %dma_start3A_315 = arith.constant 0 : i32
      %dma_start3A_316 = tpu.memref_slice %arg7[%add3A_311, %dma_start3A_315] : memref<128x4xi32, #tpu.memory_space<vmem>> -> memref<1x4xi32, #tpu.memory_space<vmem>>
      %dma_start3A_317 = tpu.memref_squeeze %dma_start3A_316 : memref<1x4xi32, #tpu.memory_space<vmem>> -> memref<4xi32, #tpu.memory_space<vmem>>
      %dma_start3A_318 = arith.constant 0 : i32
      %dma_start3A_319 = arith.constant 0 : i32
      %dma_start3A_320 = tpu.memref_slice %arg4[%dma_start3A_318, %dma_start3A_319] : memref<200000x32xf32, #tpu.memory_space<hbm>> -> memref<200000x32xf32, #tpu.memory_space<hbm>>
      tpu.enqueue_indirect_dma source(%dma_start3A_320 : memref<200000x32xf32, #tpu.memory_space<hbm>>) target(%dma_start3A_314 : memref<4x32xf32, #tpu.memory_space<vmem>>) offsets(%dma_start3A_317 : memref<4xi32, #tpu.memory_space<vmem>>) semaphore(%arg13 : memref<!tpu.dma_semaphore, #tpu.memory_space<semaphore_mem>>)
      %dma_start3A_321 = arith.constant 0 : i32
      %dma_start3A_322 = arith.constant 4 : i32
      %dma_start3A_323 = arith.constant 0 : i32
      %dma_start3A_324 = tpu.memref_slice %arg11[%dma_start3A_322, %dma_start3A_323] : memref<1616x32xf32, #tpu.memory_space<vmem>> -> memref<100x32xf32, #tpu.memory_space<vmem>>
      %dma_start3A_325 = arith.constant 0 : i32
      %dma_start3A_326 = tpu.memref_slice %arg9[%dma_start3A_321, %dma_start3A_325] : memref<16x100xi32, #tpu.memory_space<vmem>> -> memref<1x100xi32, #tpu.memory_space<vmem>>
      %dma_start3A_327 = tpu.memref_squeeze %dma_start3A_326 : memref<1x100xi32, #tpu.memory_space<vmem>> -> memref<100xi32, #tpu.memory_space<vmem>>
      %dma_start3A_328 = arith.constant 0 : i32
      %dma_start3A_329 = arith.constant 0 : i32
      %dma_start3A_330 = tpu.memref_slice %arg5[%dma_start3A_328, %dma_start3A_329] : memref<32000x32xf32, #tpu.memory_space<hbm>> -> memref<32000x32xf32, #tpu.memory_space<hbm>>
      tpu.enqueue_indirect_dma source(%dma_start3A_330 : memref<32000x32xf32, #tpu.memory_space<hbm>>) target(%dma_start3A_324 : memref<100x32xf32, #tpu.memory_space<vmem>>) offsets(%dma_start3A_327 : memref<100xi32, #tpu.memory_space<vmem>>) semaphore(%arg13 : memref<!tpu.dma_semaphore, #tpu.memory_space<semaphore_mem>>)
      %dma_start3A_331 = arith.constant 1 : i32
      %dma_start3A_332 = arith.constant 104 : i32
      %dma_start3A_333 = arith.constant 0 : i32
      %dma_start3A_334 = tpu.memref_slice %arg11[%dma_start3A_332, %dma_start3A_333] : memref<1616x32xf32, #tpu.memory_space<vmem>> -> memref<100x32xf32, #tpu.memory_space<vmem>>
      %dma_start3A_335 = arith.constant 0 : i32
      %dma_start3A_336 = tpu.memref_slice %arg9[%dma_start3A_331, %dma_start3A_335] : memref<16x100xi32, #tpu.memory_space<vmem>> -> memref<1x100xi32, #tpu.memory_space<vmem>>
      %dma_start3A_337 = tpu.memref_squeeze %dma_start3A_336 : memref<1x100xi32, #tpu.memory_space<vmem>> -> memref<100xi32, #tpu.memory_space<vmem>>
      %dma_start3A_338 = arith.constant 0 : i32
      %dma_start3A_339 = arith.constant 0 : i32
      %dma_start3A_340 = tpu.memref_slice %arg5[%dma_start3A_338, %dma_start3A_339] : memref<32000x32xf32, #tpu.memory_space<hbm>> -> memref<32000x32xf32, #tpu.memory_space<hbm>>
      tpu.enqueue_indirect_dma source(%dma_start3A_340 : memref<32000x32xf32, #tpu.memory_space<hbm>>) target(%dma_start3A_334 : memref<100x32xf32, #tpu.memory_space<vmem>>) offsets(%dma_start3A_337 : memref<100xi32, #tpu.memory_space<vmem>>) semaphore(%arg13 : memref<!tpu.dma_semaphore, #tpu.memory_space<semaphore_mem>>)
      %dma_start3A_341 = arith.constant 2 : i32
      %dma_start3A_342 = arith.constant 204 : i32
      %dma_start3A_343 = arith.constant 0 : i32
      %dma_start3A_344 = tpu.memref_slice %arg11[%dma_start3A_342, %dma_start3A_343] : memref<1616x32xf32, #tpu.memory_space<vmem>> -> memref<100x32xf32, #tpu.memory_space<vmem>>
      %dma_start3A_345 = arith.constant 0 : i32
      %dma_start3A_346 = tpu.memref_slice %arg9[%dma_start3A_341, %dma_start3A_345] : memref<16x100xi32, #tpu.memory_space<vmem>> -> memref<1x100xi32, #tpu.memory_space<vmem>>
      %dma_start3A_347 = tpu.memref_squeeze %dma_start3A_346 : memref<1x100xi32, #tpu.memory_space<vmem>> -> memref<100xi32, #tpu.memory_space<vmem>>
      %dma_start3A_348 = arith.constant 0 : i32
      %dma_start3A_349 = arith.constant 0 : i32
      %dma_start3A_350 = tpu.memref_slice %arg5[%dma_start3A_348, %dma_start3A_349] : memref<32000x32xf32, #tpu.memory_space<hbm>> -> memref<32000x32xf32, #tpu.memory_space<hbm>>
      tpu.enqueue_indirect_dma source(%dma_start3A_350 : memref<32000x32xf32, #tpu.memory_space<hbm>>) target(%dma_start3A_344 : memref<100x32xf32, #tpu.memory_space<vmem>>) offsets(%dma_start3A_347 : memref<100xi32, #tpu.memory_space<vmem>>) semaphore(%arg13 : memref<!tpu.dma_semaphore, #tpu.memory_space<semaphore_mem>>)
      %dma_start3A_351 = arith.constant 3 : i32
      %dma_start3A_352 = arith.constant 304 : i32
      %dma_start3A_353 = arith.constant 0 : i32
      %dma_start3A_354 = tpu.memref_slice %arg11[%dma_start3A_352, %dma_start3A_353] : memref<1616x32xf32, #tpu.memory_space<vmem>> -> memref<100x32xf32, #tpu.memory_space<vmem>>
      %dma_start3A_355 = arith.constant 0 : i32
      %dma_start3A_356 = tpu.memref_slice %arg9[%dma_start3A_351, %dma_start3A_355] : memref<16x100xi32, #tpu.memory_space<vmem>> -> memref<1x100xi32, #tpu.memory_space<vmem>>
      %dma_start3A_357 = tpu.memref_squeeze %dma_start3A_356 : memref<1x100xi32, #tpu.memory_space<vmem>> -> memref<100xi32, #tpu.memory_space<vmem>>
      %dma_start3A_358 = arith.constant 0 : i32
      %dma_start3A_359 = arith.constant 0 : i32
      %dma_start3A_360 = tpu.memref_slice %arg5[%dma_start3A_358, %dma_start3A_359] : memref<32000x32xf32, #tpu.memory_space<hbm>> -> memref<32000x32xf32, #tpu.memory_space<hbm>>
      tpu.enqueue_indirect_dma source(%dma_start3A_360 : memref<32000x32xf32, #tpu.memory_space<hbm>>) target(%dma_start3A_354 : memref<100x32xf32, #tpu.memory_space<vmem>>) offsets(%dma_start3A_357 : memref<100xi32, #tpu.memory_space<vmem>>) semaphore(%arg13 : memref<!tpu.dma_semaphore, #tpu.memory_space<semaphore_mem>>)
      %mul3A_361 = arith.constant 4 : i32
      %mul3A_362 = arith.muli %mul3A_361, %add3A_290 : i32
      %add3A_363 = arith.constant 1 : i32
      %add3A_364 = arith.addi %mul3A_362, %add3A_363 : i32
      %dma_start3A_365 = arith.constant 404 : i32
      %dma_start3A_366 = arith.constant 0 : i32
      %dma_start3A_367 = tpu.memref_slice %arg11[%dma_start3A_365, %dma_start3A_366] : memref<1616x32xf32, #tpu.memory_space<vmem>> -> memref<4x32xf32, #tpu.memory_space<vmem>>
      %dma_start3A_368 = arith.constant 0 : i32
      %dma_start3A_369 = tpu.memref_slice %arg7[%add3A_364, %dma_start3A_368] : memref<128x4xi32, #tpu.memory_space<vmem>> -> memref<1x4xi32, #tpu.memory_space<vmem>>
      %dma_start3A_370 = tpu.memref_squeeze %dma_start3A_369 : memref<1x4xi32, #tpu.memory_space<vmem>> -> memref<4xi32, #tpu.memory_space<vmem>>
      %dma_start3A_371 = arith.constant 0 : i32
      %dma_start3A_372 = arith.constant 0 : i32
      %dma_start3A_373 = tpu.memref_slice %arg4[%dma_start3A_371, %dma_start3A_372] : memref<200000x32xf32, #tpu.memory_space<hbm>> -> memref<200000x32xf32, #tpu.memory_space<hbm>>
      tpu.enqueue_indirect_dma source(%dma_start3A_373 : memref<200000x32xf32, #tpu.memory_space<hbm>>) target(%dma_start3A_367 : memref<4x32xf32, #tpu.memory_space<vmem>>) offsets(%dma_start3A_370 : memref<4xi32, #tpu.memory_space<vmem>>) semaphore(%arg13 : memref<!tpu.dma_semaphore, #tpu.memory_space<semaphore_mem>>)
      %dma_start3A_374 = arith.constant 4 : i32
      %dma_start3A_375 = arith.constant 408 : i32
      %dma_start3A_376 = arith.constant 0 : i32
      %dma_start3A_377 = tpu.memref_slice %arg11[%dma_start3A_375, %dma_start3A_376] : memref<1616x32xf32, #tpu.memory_space<vmem>> -> memref<100x32xf32, #tpu.memory_space<vmem>>
      %dma_start3A_378 = arith.constant 0 : i32
      %dma_start3A_379 = tpu.memref_slice %arg9[%dma_start3A_374, %dma_start3A_378] : memref<16x100xi32, #tpu.memory_space<vmem>> -> memref<1x100xi32, #tpu.memory_space<vmem>>
      %dma_start3A_380 = tpu.memref_squeeze %dma_start3A_379 : memref<1x100xi32, #tpu.memory_space<vmem>> -> memref<100xi32, #tpu.memory_space<vmem>>
      %dma_start3A_381 = arith.constant 0 : i32
      %dma_start3A_382 = arith.constant 0 : i32
      %dma_start3A_383 = tpu.memref_slice %arg5[%dma_start3A_381, %dma_start3A_382] : memref<32000x32xf32, #tpu.memory_space<hbm>> -> memref<32000x32xf32, #tpu.memory_space<hbm>>
      tpu.enqueue_indirect_dma source(%dma_start3A_383 : memref<32000x32xf32, #tpu.memory_space<hbm>>) target(%dma_start3A_377 : memref<100x32xf32, #tpu.memory_space<vmem>>) offsets(%dma_start3A_380 : memref<100xi32, #tpu.memory_space<vmem>>) semaphore(%arg13 : memref<!tpu.dma_semaphore, #tpu.memory_space<semaphore_mem>>)
      %dma_start3A_384 = arith.constant 5 : i32
      %dma_start3A_385 = arith.constant 508 : i32
      %dma_start3A_386 = arith.constant 0 : i32
      %dma_start3A_387 = tpu.memref_slice %arg11[%dma_start3A_385, %dma_start3A_386] : memref<1616x32xf32, #tpu.memory_space<vmem>> -> memref<100x32xf32, #tpu.memory_space<vmem>>
      %dma_start3A_388 = arith.constant 0 : i32
      %dma_start3A_389 = tpu.memref_slice %arg9[%dma_start3A_384, %dma_start3A_388] : memref<16x100xi32, #tpu.memory_space<vmem>> -> memref<1x100xi32, #tpu.memory_space<vmem>>
      %dma_start3A_390 = tpu.memref_squeeze %dma_start3A_389 : memref<1x100xi32, #tpu.memory_space<vmem>> -> memref<100xi32, #tpu.memory_space<vmem>>
      %dma_start3A_391 = arith.constant 0 : i32
      %dma_start3A_392 = arith.constant 0 : i32
      %dma_start3A_393 = tpu.memref_slice %arg5[%dma_start3A_391, %dma_start3A_392] : memref<32000x32xf32, #tpu.memory_space<hbm>> -> memref<32000x32xf32, #tpu.memory_space<hbm>>
      tpu.enqueue_indirect_dma source(%dma_start3A_393 : memref<32000x32xf32, #tpu.memory_space<hbm>>) target(%dma_start3A_387 : memref<100x32xf32, #tpu.memory_space<vmem>>) offsets(%dma_start3A_390 : memref<100xi32, #tpu.memory_space<vmem>>) semaphore(%arg13 : memref<!tpu.dma_semaphore, #tpu.memory_space<semaphore_mem>>)
      %dma_start3A_394 = arith.constant 6 : i32
      %dma_start3A_395 = arith.constant 608 : i32
      %dma_start3A_396 = arith.constant 0 : i32
      %dma_start3A_397 = tpu.memref_slice %arg11[%dma_start3A_395, %dma_start3A_396] : memref<1616x32xf32, #tpu.memory_space<vmem>> -> memref<100x32xf32, #tpu.memory_space<vmem>>
      %dma_start3A_398 = arith.constant 0 : i32
      %dma_start3A_399 = tpu.memref_slice %arg9[%dma_start3A_394, %dma_start3A_398] : memref<16x100xi32, #tpu.memory_space<vmem>> -> memref<1x100xi32, #tpu.memory_space<vmem>>
      %dma_start3A_400 = tpu.memref_squeeze %dma_start3A_399 : memref<1x100xi32, #tpu.memory_space<vmem>> -> memref<100xi32, #tpu.memory_space<vmem>>
      %dma_start3A_401 = arith.constant 0 : i32
      %dma_start3A_402 = arith.constant 0 : i32
      %dma_start3A_403 = tpu.memref_slice %arg5[%dma_start3A_401, %dma_start3A_402] : memref<32000x32xf32, #tpu.memory_space<hbm>> -> memref<32000x32xf32, #tpu.memory_space<hbm>>
      tpu.enqueue_indirect_dma source(%dma_start3A_403 : memref<32000x32xf32, #tpu.memory_space<hbm>>) target(%dma_start3A_397 : memref<100x32xf32, #tpu.memory_space<vmem>>) offsets(%dma_start3A_400 : memref<100xi32, #tpu.memory_space<vmem>>) semaphore(%arg13 : memref<!tpu.dma_semaphore, #tpu.memory_space<semaphore_mem>>)
      %dma_start3A_404 = arith.constant 7 : i32
      %dma_start3A_405 = arith.constant 708 : i32
      %dma_start3A_406 = arith.constant 0 : i32
      %dma_start3A_407 = tpu.memref_slice %arg11[%dma_start3A_405, %dma_start3A_406] : memref<1616x32xf32, #tpu.memory_space<vmem>> -> memref<100x32xf32, #tpu.memory_space<vmem>>
      %dma_start3A_408 = arith.constant 0 : i32
      %dma_start3A_409 = tpu.memref_slice %arg9[%dma_start3A_404, %dma_start3A_408] : memref<16x100xi32, #tpu.memory_space<vmem>> -> memref<1x100xi32, #tpu.memory_space<vmem>>
      %dma_start3A_410 = tpu.memref_squeeze %dma_start3A_409 : memref<1x100xi32, #tpu.memory_space<vmem>> -> memref<100xi32, #tpu.memory_space<vmem>>
      %dma_start3A_411 = arith.constant 0 : i32
      %dma_start3A_412 = arith.constant 0 : i32
      %dma_start3A_413 = tpu.memref_slice %arg5[%dma_start3A_411, %dma_start3A_412] : memref<32000x32xf32, #tpu.memory_space<hbm>> -> memref<32000x32xf32, #tpu.memory_space<hbm>>
      tpu.enqueue_indirect_dma source(%dma_start3A_413 : memref<32000x32xf32, #tpu.memory_space<hbm>>) target(%dma_start3A_407 : memref<100x32xf32, #tpu.memory_space<vmem>>) offsets(%dma_start3A_410 : memref<100xi32, #tpu.memory_space<vmem>>) semaphore(%arg13 : memref<!tpu.dma_semaphore, #tpu.memory_space<semaphore_mem>>)
      %mul3A_414 = arith.constant 4 : i32
      %mul3A_415 = arith.muli %mul3A_414, %add3A_290 : i32
      %add3A_416 = arith.constant 2 : i32
      %add3A_417 = arith.addi %mul3A_415, %add3A_416 : i32
      %dma_start3A_418 = arith.constant 808 : i32
      %dma_start3A_419 = arith.constant 0 : i32
      %dma_start3A_420 = tpu.memref_slice %arg11[%dma_start3A_418, %dma_start3A_419] : memref<1616x32xf32, #tpu.memory_space<vmem>> -> memref<4x32xf32, #tpu.memory_space<vmem>>
      %dma_start3A_421 = arith.constant 0 : i32
      %dma_start3A_422 = tpu.memref_slice %arg7[%add3A_417, %dma_start3A_421] : memref<128x4xi32, #tpu.memory_space<vmem>> -> memref<1x4xi32, #tpu.memory_space<vmem>>
      %dma_start3A_423 = tpu.memref_squeeze %dma_start3A_422 : memref<1x4xi32, #tpu.memory_space<vmem>> -> memref<4xi32, #tpu.memory_space<vmem>>
      %dma_start3A_424 = arith.constant 0 : i32
      %dma_start3A_425 = arith.constant 0 : i32
      %dma_start3A_426 = tpu.memref_slice %arg4[%dma_start3A_424, %dma_start3A_425] : memref<200000x32xf32, #tpu.memory_space<hbm>> -> memref<200000x32xf32, #tpu.memory_space<hbm>>
      tpu.enqueue_indirect_dma source(%dma_start3A_426 : memref<200000x32xf32, #tpu.memory_space<hbm>>) target(%dma_start3A_420 : memref<4x32xf32, #tpu.memory_space<vmem>>) offsets(%dma_start3A_423 : memref<4xi32, #tpu.memory_space<vmem>>) semaphore(%arg13 : memref<!tpu.dma_semaphore, #tpu.memory_space<semaphore_mem>>)
      %dma_start3A_427 = arith.constant 8 : i32
      %dma_start3A_428 = arith.constant 812 : i32
      %dma_start3A_429 = arith.constant 0 : i32
      %dma_start3A_430 = tpu.memref_slice %arg11[%dma_start3A_428, %dma_start3A_429] : memref<1616x32xf32, #tpu.memory_space<vmem>> -> memref<100x32xf32, #tpu.memory_space<vmem>>
      %dma_start3A_431 = arith.constant 0 : i32
      %dma_start3A_432 = tpu.memref_slice %arg9[%dma_start3A_427, %dma_start3A_431] : memref<16x100xi32, #tpu.memory_space<vmem>> -> memref<1x100xi32, #tpu.memory_space<vmem>>
      %dma_start3A_433 = tpu.memref_squeeze %dma_start3A_432 : memref<1x100xi32, #tpu.memory_space<vmem>> -> memref<100xi32, #tpu.memory_space<vmem>>
      %dma_start3A_434 = arith.constant 0 : i32
      %dma_start3A_435 = arith.constant 0 : i32
      %dma_start3A_436 = tpu.memref_slice %arg5[%dma_start3A_434, %dma_start3A_435] : memref<32000x32xf32, #tpu.memory_space<hbm>> -> memref<32000x32xf32, #tpu.memory_space<hbm>>
      tpu.enqueue_indirect_dma source(%dma_start3A_436 : memref<32000x32xf32, #tpu.memory_space<hbm>>) target(%dma_start3A_430 : memref<100x32xf32, #tpu.memory_space<vmem>>) offsets(%dma_start3A_433 : memref<100xi32, #tpu.memory_space<vmem>>) semaphore(%arg13 : memref<!tpu.dma_semaphore, #tpu.memory_space<semaphore_mem>>)
      %dma_start3A_437 = arith.constant 9 : i32
      %dma_start3A_438 = arith.constant 912 : i32
      %dma_start3A_439 = arith.constant 0 : i32
      %dma_start3A_440 = tpu.memref_slice %arg11[%dma_start3A_438, %dma_start3A_439] : memref<1616x32xf32, #tpu.memory_space<vmem>> -> memref<100x32xf32, #tpu.memory_space<vmem>>
      %dma_start3A_441 = arith.constant 0 : i32
      %dma_start3A_442 = tpu.memref_slice %arg9[%dma_start3A_437, %dma_start3A_441] : memref<16x100xi32, #tpu.memory_space<vmem>> -> memref<1x100xi32, #tpu.memory_space<vmem>>
      %dma_start3A_443 = tpu.memref_squeeze %dma_start3A_442 : memref<1x100xi32, #tpu.memory_space<vmem>> -> memref<100xi32, #tpu.memory_space<vmem>>
      %dma_start3A_444 = arith.constant 0 : i32
      %dma_start3A_445 = arith.constant 0 : i32
      %dma_start3A_446 = tpu.memref_slice %arg5[%dma_start3A_444, %dma_start3A_445] : memref<32000x32xf32, #tpu.memory_space<hbm>> -> memref<32000x32xf32, #tpu.memory_space<hbm>>
      tpu.enqueue_indirect_dma source(%dma_start3A_446 : memref<32000x32xf32, #tpu.memory_space<hbm>>) target(%dma_start3A_440 : memref<100x32xf32, #tpu.memory_space<vmem>>) offsets(%dma_start3A_443 : memref<100xi32, #tpu.memory_space<vmem>>) semaphore(%arg13 : memref<!tpu.dma_semaphore, #tpu.memory_space<semaphore_mem>>)
      %dma_start3A_447 = arith.constant 10 : i32
      %dma_start3A_448 = arith.constant 1012 : i32
      %dma_start3A_449 = arith.constant 0 : i32
      %dma_start3A_450 = tpu.memref_slice %arg11[%dma_start3A_448, %dma_start3A_449] : memref<1616x32xf32, #tpu.memory_space<vmem>> -> memref<100x32xf32, #tpu.memory_space<vmem>>
      %dma_start3A_451 = arith.constant 0 : i32
      %dma_start3A_452 = tpu.memref_slice %arg9[%dma_start3A_447, %dma_start3A_451] : memref<16x100xi32, #tpu.memory_space<vmem>> -> memref<1x100xi32, #tpu.memory_space<vmem>>
      %dma_start3A_453 = tpu.memref_squeeze %dma_start3A_452 : memref<1x100xi32, #tpu.memory_space<vmem>> -> memref<100xi32, #tpu.memory_space<vmem>>
      %dma_start3A_454 = arith.constant 0 : i32
      %dma_start3A_455 = arith.constant 0 : i32
      %dma_start3A_456 = tpu.memref_slice %arg5[%dma_start3A_454, %dma_start3A_455] : memref<32000x32xf32, #tpu.memory_space<hbm>> -> memref<32000x32xf32, #tpu.memory_space<hbm>>
      tpu.enqueue_indirect_dma source(%dma_start3A_456 : memref<32000x32xf32, #tpu.memory_space<hbm>>) target(%dma_start3A_450 : memref<100x32xf32, #tpu.memory_space<vmem>>) offsets(%dma_start3A_453 : memref<100xi32, #tpu.memory_space<vmem>>) semaphore(%arg13 : memref<!tpu.dma_semaphore, #tpu.memory_space<semaphore_mem>>)
      %dma_start3A_457 = arith.constant 11 : i32
      %dma_start3A_458 = arith.constant 1112 : i32
      %dma_start3A_459 = arith.constant 0 : i32
      %dma_start3A_460 = tpu.memref_slice %arg11[%dma_start3A_458, %dma_start3A_459] : memref<1616x32xf32, #tpu.memory_space<vmem>> -> memref<100x32xf32, #tpu.memory_space<vmem>>
      %dma_start3A_461 = arith.constant 0 : i32
      %dma_start3A_462 = tpu.memref_slice %arg9[%dma_start3A_457, %dma_start3A_461] : memref<16x100xi32, #tpu.memory_space<vmem>> -> memref<1x100xi32, #tpu.memory_space<vmem>>
      %dma_start3A_463 = tpu.memref_squeeze %dma_start3A_462 : memref<1x100xi32, #tpu.memory_space<vmem>> -> memref<100xi32, #tpu.memory_space<vmem>>
      %dma_start3A_464 = arith.constant 0 : i32
      %dma_start3A_465 = arith.constant 0 : i32
      %dma_start3A_466 = tpu.memref_slice %arg5[%dma_start3A_464, %dma_start3A_465] : memref<32000x32xf32, #tpu.memory_space<hbm>> -> memref<32000x32xf32, #tpu.memory_space<hbm>>
      tpu.enqueue_indirect_dma source(%dma_start3A_466 : memref<32000x32xf32, #tpu.memory_space<hbm>>) target(%dma_start3A_460 : memref<100x32xf32, #tpu.memory_space<vmem>>) offsets(%dma_start3A_463 : memref<100xi32, #tpu.memory_space<vmem>>) semaphore(%arg13 : memref<!tpu.dma_semaphore, #tpu.memory_space<semaphore_mem>>)
      %mul3A_467 = arith.constant 4 : i32
      %mul3A_468 = arith.muli %mul3A_467, %add3A_290 : i32
      %add3A_469 = arith.constant 3 : i32
      %add3A_470 = arith.addi %mul3A_468, %add3A_469 : i32
      %dma_start3A_471 = arith.constant 1212 : i32
      %dma_start3A_472 = arith.constant 0 : i32
      %dma_start3A_473 = tpu.memref_slice %arg11[%dma_start3A_471, %dma_start3A_472] : memref<1616x32xf32, #tpu.memory_space<vmem>> -> memref<4x32xf32, #tpu.memory_space<vmem>>
      %dma_start3A_474 = arith.constant 0 : i32
      %dma_start3A_475 = tpu.memref_slice %arg7[%add3A_470, %dma_start3A_474] : memref<128x4xi32, #tpu.memory_space<vmem>> -> memref<1x4xi32, #tpu.memory_space<vmem>>
      %dma_start3A_476 = tpu.memref_squeeze %dma_start3A_475 : memref<1x4xi32, #tpu.memory_space<vmem>> -> memref<4xi32, #tpu.memory_space<vmem>>
      %dma_start3A_477 = arith.constant 0 : i32
      %dma_start3A_478 = arith.constant 0 : i32
      %dma_start3A_479 = tpu.memref_slice %arg4[%dma_start3A_477, %dma_start3A_478] : memref<200000x32xf32, #tpu.memory_space<hbm>> -> memref<200000x32xf32, #tpu.memory_space<hbm>>
      tpu.enqueue_indirect_dma source(%dma_start3A_479 : memref<200000x32xf32, #tpu.memory_space<hbm>>) target(%dma_start3A_473 : memref<4x32xf32, #tpu.memory_space<vmem>>) offsets(%dma_start3A_476 : memref<4xi32, #tpu.memory_space<vmem>>) semaphore(%arg13 : memref<!tpu.dma_semaphore, #tpu.memory_space<semaphore_mem>>)
      %dma_start3A_480 = arith.constant 12 : i32
      %dma_start3A_481 = arith.constant 1216 : i32
      %dma_start3A_482 = arith.constant 0 : i32
      %dma_start3A_483 = tpu.memref_slice %arg11[%dma_start3A_481, %dma_start3A_482] : memref<1616x32xf32, #tpu.memory_space<vmem>> -> memref<100x32xf32, #tpu.memory_space<vmem>>
      %dma_start3A_484 = arith.constant 0 : i32
      %dma_start3A_485 = tpu.memref_slice %arg9[%dma_start3A_480, %dma_start3A_484] : memref<16x100xi32, #tpu.memory_space<vmem>> -> memref<1x100xi32, #tpu.memory_space<vmem>>
      %dma_start3A_486 = tpu.memref_squeeze %dma_start3A_485 : memref<1x100xi32, #tpu.memory_space<vmem>> -> memref<100xi32, #tpu.memory_space<vmem>>
      %dma_start3A_487 = arith.constant 0 : i32
      %dma_start3A_488 = arith.constant 0 : i32
      %dma_start3A_489 = tpu.memref_slice %arg5[%dma_start3A_487, %dma_start3A_488] : memref<32000x32xf32, #tpu.memory_space<hbm>> -> memref<32000x32xf32, #tpu.memory_space<hbm>>
      tpu.enqueue_indirect_dma source(%dma_start3A_489 : memref<32000x32xf32, #tpu.memory_space<hbm>>) target(%dma_start3A_483 : memref<100x32xf32, #tpu.memory_space<vmem>>) offsets(%dma_start3A_486 : memref<100xi32, #tpu.memory_space<vmem>>) semaphore(%arg13 : memref<!tpu.dma_semaphore, #tpu.memory_space<semaphore_mem>>)
      %dma_start3A_490 = arith.constant 13 : i32
      %dma_start3A_491 = arith.constant 1316 : i32
      %dma_start3A_492 = arith.constant 0 : i32
      %dma_start3A_493 = tpu.memref_slice %arg11[%dma_start3A_491, %dma_start3A_492] : memref<1616x32xf32, #tpu.memory_space<vmem>> -> memref<100x32xf32, #tpu.memory_space<vmem>>
      %dma_start3A_494 = arith.constant 0 : i32
      %dma_start3A_495 = tpu.memref_slice %arg9[%dma_start3A_490, %dma_start3A_494] : memref<16x100xi32, #tpu.memory_space<vmem>> -> memref<1x100xi32, #tpu.memory_space<vmem>>
      %dma_start3A_496 = tpu.memref_squeeze %dma_start3A_495 : memref<1x100xi32, #tpu.memory_space<vmem>> -> memref<100xi32, #tpu.memory_space<vmem>>
      %dma_start3A_497 = arith.constant 0 : i32
      %dma_start3A_498 = arith.constant 0 : i32
      %dma_start3A_499 = tpu.memref_slice %arg5[%dma_start3A_497, %dma_start3A_498] : memref<32000x32xf32, #tpu.memory_space<hbm>> -> memref<32000x32xf32, #tpu.memory_space<hbm>>
      tpu.enqueue_indirect_dma source(%dma_start3A_499 : memref<32000x32xf32, #tpu.memory_space<hbm>>) target(%dma_start3A_493 : memref<100x32xf32, #tpu.memory_space<vmem>>) offsets(%dma_start3A_496 : memref<100xi32, #tpu.memory_space<vmem>>) semaphore(%arg13 : memref<!tpu.dma_semaphore, #tpu.memory_space<semaphore_mem>>)
      %dma_start3A_500 = arith.constant 14 : i32
      %dma_start3A_501 = arith.constant 1416 : i32
      %dma_start3A_502 = arith.constant 0 : i32
      %dma_start3A_503 = tpu.memref_slice %arg11[%dma_start3A_501, %dma_start3A_502] : memref<1616x32xf32, #tpu.memory_space<vmem>> -> memref<100x32xf32, #tpu.memory_space<vmem>>
      %dma_start3A_504 = arith.constant 0 : i32
      %dma_start3A_505 = tpu.memref_slice %arg9[%dma_start3A_500, %dma_start3A_504] : memref<16x100xi32, #tpu.memory_space<vmem>> -> memref<1x100xi32, #tpu.memory_space<vmem>>
      %dma_start3A_506 = tpu.memref_squeeze %dma_start3A_505 : memref<1x100xi32, #tpu.memory_space<vmem>> -> memref<100xi32, #tpu.memory_space<vmem>>
      %dma_start3A_507 = arith.constant 0 : i32
      %dma_start3A_508 = arith.constant 0 : i32
      %dma_start3A_509 = tpu.memref_slice %arg5[%dma_start3A_507, %dma_start3A_508] : memref<32000x32xf32, #tpu.memory_space<hbm>> -> memref<32000x32xf32, #tpu.memory_space<hbm>>
      tpu.enqueue_indirect_dma source(%dma_start3A_509 : memref<32000x32xf32, #tpu.memory_space<hbm>>) target(%dma_start3A_503 : memref<100x32xf32, #tpu.memory_space<vmem>>) offsets(%dma_start3A_506 : memref<100xi32, #tpu.memory_space<vmem>>) semaphore(%arg13 : memref<!tpu.dma_semaphore, #tpu.memory_space<semaphore_mem>>)
      %dma_start3A_510 = arith.constant 15 : i32
      %dma_start3A_511 = arith.constant 1516 : i32
      %dma_start3A_512 = arith.constant 0 : i32
      %dma_start3A_513 = tpu.memref_slice %arg11[%dma_start3A_511, %dma_start3A_512] : memref<1616x32xf32, #tpu.memory_space<vmem>> -> memref<100x32xf32, #tpu.memory_space<vmem>>
      %dma_start3A_514 = arith.constant 0 : i32
      %dma_start3A_515 = tpu.memref_slice %arg9[%dma_start3A_510, %dma_start3A_514] : memref<16x100xi32, #tpu.memory_space<vmem>> -> memref<1x100xi32, #tpu.memory_space<vmem>>
      %dma_start3A_516 = tpu.memref_squeeze %dma_start3A_515 : memref<1x100xi32, #tpu.memory_space<vmem>> -> memref<100xi32, #tpu.memory_space<vmem>>
      %dma_start3A_517 = arith.constant 0 : i32
      %dma_start3A_518 = arith.constant 0 : i32
      %dma_start3A_519 = tpu.memref_slice %arg5[%dma_start3A_517, %dma_start3A_518] : memref<32000x32xf32, #tpu.memory_space<hbm>> -> memref<32000x32xf32, #tpu.memory_space<hbm>>
      tpu.enqueue_indirect_dma source(%dma_start3A_519 : memref<32000x32xf32, #tpu.memory_space<hbm>>) target(%dma_start3A_513 : memref<100x32xf32, #tpu.memory_space<vmem>>) offsets(%dma_start3A_516 : memref<100xi32, #tpu.memory_space<vmem>>) semaphore(%arg13 : memref<!tpu.dma_semaphore, #tpu.memory_space<semaphore_mem>>)
      %mul3A_520 = arith.constant 2 : i32
      %mul3A_521 = arith.muli %mul3A_520, %scan3A_56 : i32
      %add3A_522 = arith.constant 0 : i32
      %add3A_523 = arith.addi %mul3A_521, %add3A_522 : i32
      %mul3A_524 = arith.constant 4 : i32
      %mul3A_525 = arith.muli %mul3A_524, %add3A_523 : i32
      %add3A_526 = arith.addi %mul3A_2, %mul3A_525 : i32
      %mul3A_527 = arith.constant 404 : i32
      %mul3A_528 = arith.muli %add3A_526, %mul3A_527 : i32
      %dma_wait3A_529 = arith.constant 0 : i32
      %dma_wait3A_530 = tpu.memref_slice %arg6[%mul3A_528, %dma_wait3A_529] : memref<1654784x32xf32, #tpu.memory_space<hbm>> -> memref<1616x32xf32, #tpu.memory_space<hbm>>
      %dma_wait3A_531 = arith.constant 0 : i32
      %dma_wait3A_532 = tpu.memref_slice %arg6[%mul3A_528, %dma_wait3A_531] : memref<1654784x32xf32, #tpu.memory_space<hbm>> -> memref<1616x32xf32, #tpu.memory_space<hbm>>
      tpu.wait_dma2 semaphore(%arg12 : memref<!tpu.dma_semaphore, #tpu.memory_space<semaphore_mem>>) src(%dma_wait3A_532 : memref<1616x32xf32, #tpu.memory_space<hbm>>) dst(%arg10 : memref<1616x32xf32, #tpu.memory_space<vmem>>)
      %dma_start3A_533 = arith.constant 0 : i32
      %dma_start3A_534 = tpu.memref_slice %arg6[%mul3A_528, %dma_start3A_533] : memref<1654784x32xf32, #tpu.memory_space<hbm>> -> memref<1616x32xf32, #tpu.memory_space<hbm>>
      %dma_start3A_535 = arith.constant 0 : i32
      %dma_start3A_536 = tpu.memref_slice %arg6[%mul3A_528, %dma_start3A_535] : memref<1654784x32xf32, #tpu.memory_space<hbm>> -> memref<1616x32xf32, #tpu.memory_space<hbm>>
      tpu.enqueue_dma source(%arg10 : memref<1616x32xf32, #tpu.memory_space<vmem>>) target(%dma_start3A_536 : memref<1616x32xf32, #tpu.memory_space<hbm>>) target_semaphore(%arg16 : memref<!tpu.dma_semaphore, #tpu.memory_space<semaphore_mem>>)
      %add3A_537 = arith.constant 2 : i32
      %add3A_538 = arith.addi %add3A_523, %add3A_537 : i32
      %min3A = arith.constant 31 : i32
      %min3A_539 = arith.minsi %add3A_538, %min3A : i32
      %add3A_540 = arith.addi %mul3A_4, %min3A_539 : i32
      %mul3A_541 = arith.constant 16 : i32
      %mul3A_542 = arith.muli %mul3A_541, %add3A_540 : i32
      %dma_start3A_543 = arith.constant 0 : i32
      %dma_start3A_544 = tpu.memref_slice %arg3[%mul3A_542, %dma_start3A_543] : memref<16384x100xi32, #tpu.memory_space<hbm>> -> memref<16x100xi32, #tpu.memory_space<hbm>>
      %dma_start3A_545 = arith.constant 0 : i32
      %dma_start3A_546 = tpu.memref_slice %arg3[%mul3A_542, %dma_start3A_545] : memref<16384x100xi32, #tpu.memory_space<hbm>> -> memref<16x100xi32, #tpu.memory_space<hbm>>
      tpu.enqueue_dma source(%dma_start3A_546 : memref<16x100xi32, #tpu.memory_space<hbm>>) target(%arg8 : memref<16x100xi32, #tpu.memory_space<vmem>>) target_semaphore(%arg14 : memref<!tpu.dma_semaphore, #tpu.memory_space<semaphore_mem>>)
      %mul3A_547 = arith.constant 2 : i32
      %mul3A_548 = arith.muli %mul3A_547, %scan3A_56 : i32
      %add3A_549 = arith.constant 1 : i32
      %add3A_550 = arith.addi %mul3A_548, %add3A_549 : i32
      %mul3A_551 = arith.constant 4 : i32
      %mul3A_552 = arith.muli %mul3A_551, %add3A_550 : i32
      %add3A_553 = arith.addi %mul3A_2, %mul3A_552 : i32
      %mul3A_554 = arith.constant 404 : i32
      %mul3A_555 = arith.muli %add3A_553, %mul3A_554 : i32
      %dma_wait3A_556 = arith.constant 0 : i32
      %dma_wait3A_557 = tpu.memref_slice %arg6[%mul3A_555, %dma_wait3A_556] : memref<1654784x32xf32, #tpu.memory_space<hbm>> -> memref<1616x32xf32, #tpu.memory_space<hbm>>
      %dma_wait3A_558 = arith.constant 0 : i32
      %dma_wait3A_559 = tpu.memref_slice %arg6[%mul3A_555, %dma_wait3A_558] : memref<1654784x32xf32, #tpu.memory_space<hbm>> -> memref<1616x32xf32, #tpu.memory_space<hbm>>
      tpu.wait_dma2 semaphore(%arg13 : memref<!tpu.dma_semaphore, #tpu.memory_space<semaphore_mem>>) src(%dma_wait3A_559 : memref<1616x32xf32, #tpu.memory_space<hbm>>) dst(%arg11 : memref<1616x32xf32, #tpu.memory_space<vmem>>)
      %dma_start3A_560 = arith.constant 0 : i32
      %dma_start3A_561 = tpu.memref_slice %arg6[%mul3A_555, %dma_start3A_560] : memref<1654784x32xf32, #tpu.memory_space<hbm>> -> memref<1616x32xf32, #tpu.memory_space<hbm>>
      %dma_start3A_562 = arith.constant 0 : i32
      %dma_start3A_563 = tpu.memref_slice %arg6[%mul3A_555, %dma_start3A_562] : memref<1654784x32xf32, #tpu.memory_space<hbm>> -> memref<1616x32xf32, #tpu.memory_space<hbm>>
      tpu.enqueue_dma source(%arg11 : memref<1616x32xf32, #tpu.memory_space<vmem>>) target(%dma_start3A_563 : memref<1616x32xf32, #tpu.memory_space<hbm>>) target_semaphore(%arg17 : memref<!tpu.dma_semaphore, #tpu.memory_space<semaphore_mem>>)
      %add3A_564 = arith.constant 2 : i32
      %add3A_565 = arith.addi %add3A_550, %add3A_564 : i32
      %min3A_566 = arith.constant 31 : i32
      %min3A_567 = arith.minsi %add3A_565, %min3A_566 : i32
      %add3A_568 = arith.addi %mul3A_4, %min3A_567 : i32
      %mul3A_569 = arith.constant 16 : i32
      %mul3A_570 = arith.muli %mul3A_569, %add3A_568 : i32
      %dma_start3A_571 = arith.constant 0 : i32
      %dma_start3A_572 = tpu.memref_slice %arg3[%mul3A_570, %dma_start3A_571] : memref<16384x100xi32, #tpu.memory_space<hbm>> -> memref<16x100xi32, #tpu.memory_space<hbm>>
      %dma_start3A_573 = arith.constant 0 : i32
      %dma_start3A_574 = tpu.memref_slice %arg3[%mul3A_570, %dma_start3A_573] : memref<16384x100xi32, #tpu.memory_space<hbm>> -> memref<16x100xi32, #tpu.memory_space<hbm>>
      tpu.enqueue_dma source(%dma_start3A_574 : memref<16x100xi32, #tpu.memory_space<hbm>>) target(%arg9 : memref<16x100xi32, #tpu.memory_space<vmem>>) target_semaphore(%arg15 : memref<!tpu.dma_semaphore, #tpu.memory_space<semaphore_mem>>)
    }
    %scan3A_24 = arith.constant 16 : i32
    %add3A_25 = arith.constant 120 : i32
    %add3A_26 = arith.addi %mul3A_2, %add3A_25 : i32
    %mul3A_27 = arith.constant 404 : i32
    %mul3A_28 = arith.muli %add3A_26, %mul3A_27 : i32
    %add3A_29 = arith.constant 30 : i32
    %add3A_30 = arith.addi %mul3A_4, %add3A_29 : i32
    %mul3A_31 = arith.constant 16 : i32
    %mul3A_32 = arith.muli %mul3A_31, %add3A_30 : i32
    %dma_wait3A = arith.constant 0 : i32
    %dma_wait3A_33 = tpu.memref_slice %arg3[%mul3A_32, %dma_wait3A] : memref<16384x100xi32, #tpu.memory_space<hbm>> -> memref<16x100xi32, #tpu.memory_space<hbm>>
    %dma_wait3A_34 = arith.constant 0 : i32
    %dma_wait3A_35 = tpu.memref_slice %arg3[%mul3A_32, %dma_wait3A_34] : memref<16384x100xi32, #tpu.memory_space<hbm>> -> memref<16x100xi32, #tpu.memory_space<hbm>>
    tpu.wait_dma2 semaphore(%arg14 : memref<!tpu.dma_semaphore, #tpu.memory_space<semaphore_mem>>) src(%dma_wait3A_35 : memref<16x100xi32, #tpu.memory_space<hbm>>) dst(%arg8 : memref<16x100xi32, #tpu.memory_space<vmem>>)
    %dma_wait3A_36 = arith.constant 0 : i32
    %dma_wait3A_37 = tpu.memref_slice %arg6[%mul3A_28, %dma_wait3A_36] : memref<1654784x32xf32, #tpu.memory_space<hbm>> -> memref<1616x32xf32, #tpu.memory_space<hbm>>
    %dma_wait3A_38 = arith.constant 0 : i32
    %dma_wait3A_39 = tpu.memref_slice %arg6[%mul3A_28, %dma_wait3A_38] : memref<1654784x32xf32, #tpu.memory_space<hbm>> -> memref<1616x32xf32, #tpu.memory_space<hbm>>
    tpu.wait_dma2 semaphore(%arg16 : memref<!tpu.dma_semaphore, #tpu.memory_space<semaphore_mem>>) src(%arg10 : memref<1616x32xf32, #tpu.memory_space<vmem>>) dst(%dma_wait3A_39 : memref<1616x32xf32, #tpu.memory_space<hbm>>)
    %add3A_40 = arith.constant 124 : i32
    %add3A_41 = arith.addi %mul3A_2, %add3A_40 : i32
    %mul3A_42 = arith.constant 404 : i32
    %mul3A_43 = arith.muli %add3A_41, %mul3A_42 : i32
    %add3A_44 = arith.constant 31 : i32
    %add3A_45 = arith.addi %mul3A_4, %add3A_44 : i32
    %mul3A_46 = arith.constant 16 : i32
    %mul3A_47 = arith.muli %mul3A_46, %add3A_45 : i32
    %dma_wait3A_48 = arith.constant 0 : i32
    %dma_wait3A_49 = tpu.memref_slice %arg3[%mul3A_47, %dma_wait3A_48] : memref<16384x100xi32, #tpu.memory_space<hbm>> -> memref<16x100xi32, #tpu.memory_space<hbm>>
    %dma_wait3A_50 = arith.constant 0 : i32
    %dma_wait3A_51 = tpu.memref_slice %arg3[%mul3A_47, %dma_wait3A_50] : memref<16384x100xi32, #tpu.memory_space<hbm>> -> memref<16x100xi32, #tpu.memory_space<hbm>>
    tpu.wait_dma2 semaphore(%arg15 : memref<!tpu.dma_semaphore, #tpu.memory_space<semaphore_mem>>) src(%dma_wait3A_51 : memref<16x100xi32, #tpu.memory_space<hbm>>) dst(%arg9 : memref<16x100xi32, #tpu.memory_space<vmem>>)
    %dma_wait3A_52 = arith.constant 0 : i32
    %dma_wait3A_53 = tpu.memref_slice %arg6[%mul3A_43, %dma_wait3A_52] : memref<1654784x32xf32, #tpu.memory_space<hbm>> -> memref<1616x32xf32, #tpu.memory_space<hbm>>
    %dma_wait3A_54 = arith.constant 0 : i32
    %dma_wait3A_55 = tpu.memref_slice %arg6[%mul3A_43, %dma_wait3A_54] : memref<1654784x32xf32, #tpu.memory_space<hbm>> -> memref<1616x32xf32, #tpu.memory_space<hbm>>
    tpu.wait_dma2 semaphore(%arg17 : memref<!tpu.dma_semaphore, #tpu.memory_space<semaphore_mem>>) src(%arg11 : memref<1616x32xf32, #tpu.memory_space<vmem>>) dst(%dma_wait3A_55 : memref<1616x32xf32, #tpu.memory_space<hbm>>)
    return
  }
}

</mosaic_0001>

<sc_bundles>
// kernel: kernel.3.cloned.1.call-start
scs
__scs_entry_jumppad:
0x0: {  	(pc) =	sbr.rel $0x88, $3  }
0x1: {  	(tag) =	ssettag $0x0;
	lr =	simm.s32 $0x1  }
0x2: {  	[smem:$0x3F9D] =	sst lr;
	_ =	strace $0xD0000000  }
0x3: {  	_ = 	snop  }
0x4: {  	_ = 	snop  }
0x5: {  	_ = 	snop  }
0x6: {  	_ = 	snop  }
0x7: {  	_ = 	snop  }
__scs_overlays_trampoline_lowered:
0x8: {  	[smem:$0x3FAC] =	sst s0  }
0x9: {  	[smem:$0x3FAD] =	sst s1  }
0xa: {  	[smem:$0x3FAE] =	sst s2  }
0xb: {  	[smem:$0x3FAF] =	sst s3  }
0xc: {  	[smem:$0x3FB0] =	sst s4  }
0xd: {  	[smem:$0x3FB1] =	sst s5  }
0xe: {  	[smem:$0x3FB2] =	sst s6  }
0xf: {  	[smem:$0x3FB3] =	sst s7  }
0x10: {  	[smem:$0x3FB4] =	sst s8  }
0x11: {  	[smem:$0x3FB5] =	sst s9;
	s0 =	simm.s32 @!p0 $0x0  }
0x12: {  	s1 =	sld [smem:$0x3F9B];
	s0 =	simm.s32 @p0 $0x1  }
0x13: {  	[smem:$0x3FB6] =	sst s0;
	s0 =	simm.s32 @!p1 $0x0  }
0x14: {  	s2 =	sld [smem:$0x3F9A];
	s0 =	simm.s32 @p1 $0x1  }
0x15: {  	[smem:$0x3FB7] =	sst s0;
	s0 =	simm.s32 @!p2 $0x0  }
0x16: {  	s3 =	sld [smem:$0x3FDB];
	s0 =	simm.s32 @p2 $0x1  }
0x17: {  	s4 =	simm.s32 $0x1BF5;
	[smem:$0x3FB9] =	sst s0  }
0x18: {  	s0 =	sld [smem:$0x3F9C];
	_ =	swait.ge [sflag:s4], $0x0  }
0x19: {  	s7 =	sld [smem:$0x3F9D]  }
0x1a: {  	s8 =	sadd.s32 $0xFFFFE003, lr  }
0x1b: {  	s9 =	sadd.s32 $0xFFFFFEF7, lr;
	s5 =	simm.s32 $0xFFFFFFFF;
	p2 =	slt.u32 s8, $0xFFFFF086  }
0x1c: {  	p1 =	slt.u32 s9, $0xF7A;
	s5 =	simm.s32 @!p2 $0x0  }
0x1d: {  	s5 =	simm.s32 @p1 $0x1;
	p0 =	seq.s32 s7, s2  }
0x1e: {  	s7 =	smul.u32 @!p0 $0xF7A, s2;
	p2 =	seq.s32 @!p0 s5, $0x0  }
0x1f: {  	s9 =	smul.u32 $0xF7A, s1;
	s8 =	simm.s32 @!p0 $0x1BF5;
	p2 =	por !p2, p0  }
0x20: {  	[sflag:s8] =	ssyncset.s32 @!p0 $0xFFFFF086;
	s6 =	sadd.s32 @!p0 s3, s7;
	s7 =	simm.s32 @!p0 $0x108  }
0x21: {  	s3 =	sadd.s32 s3, s9;
	s6 =	sadd.s32 @!p0 $0x88, s6;
	s7 =	simm.s32 @p2 $0x1082  }
0x22: {  	[simem:s7], [sflag:s8] =	dma.local @!p0 [hbm:s6], $0xF7A  }
0x23: {  	s9 =	sor.u32 $0xD0000000, s2;
	s6 =	simm.s32 $0x108;
	_ =	swait.ge @!p0 [sflag:s8], $0x0  }
0x24: {  	s3 =	sadd.s32 $0x88, s3;
	s6 =	simm.s32 @!p1 $0x1082;
	[sflag:s4] =	ssyncset.s32 $0xFFFFF086  }
0x25: {  	[simem:s6], [sflag:s4] =	dma.local [hbm:s3], $0xF7A  }
0x26: {  	[smem:$0x3F9D] =	sst s1;
	(tag) =	ssettag s2;
	_ =	strace s9  }
0x27: {  	s1 =	sld [smem:$0x3FAD]  }
0x28: {  	s2 =	sld [smem:$0x3FAE]  }
0x29: {  	s4 =	sld [smem:$0x3FB0]  }
0x2a: {  	p0 =	seq.s32 s5, $0x0;
	s5 =	sld [smem:$0x3FB1]  }
0x2b: {  	s6 =	sld [smem:$0x3FB2]  }
0x2c: {  	s7 =	sld [smem:$0x3FB3]  }
0x2d: {  	s3 =	simm.s32 $0x108;
	s8 =	sld [smem:$0x3FB4]  }
0x2e: {  	s3 =	simm.s32 @!p0 $0x1082;
	s9 =	sld [smem:$0x3FB5]  }
0x2f: {  	lr =	sadd.s32 s0, s3;
	s0 =	sld [smem:$0x3FAC]  }
0x30: {  	s3 =	sld [smem:$0x3FAF]  }
0x31: {  	[smem:$0x3FB8] =	sst s10  }
0x32: {  	s10 =	sld [smem:$0x3FB6];
	_ =	sdelay $0x3  }
0x33: {  	p0 =	seq.s32 s10, $0x1;
	s10 =	sld [smem:$0x3FB8];
	_ =	sdelay $0x3  }
0x34: {  	[smem:$0x3FB8] =	sst s10  }
0x35: {  	s10 =	sld [smem:$0x3FB7];
	_ =	sdelay $0x3  }
0x36: {  	p1 =	seq.s32 s10, $0x1;
	s10 =	sld [smem:$0x3FB8];
	_ =	sdelay $0x3  }
0x37: {  	[smem:$0x3FB8] =	sst s10  }
0x38: {  	s10 =	sld [smem:$0x3FB9]  }
0x39: {  	_ = 	snop;
	(pc) =	sbr.ind lr, $3  }
0x3a: {  	_ = 	snop  }
0x3b: {  	_ = 	snop  }
0x3c: {  	p2 =	seq.s32 s10, $0x1;
	s10 =	sld [smem:$0x3FB8]  }
0x3d: {  	_ =	shalt  }
0x3e: {  	_ =	shalt  }
0x3f: {  	_ =	shalt  }
0x40: {  	_ =	shalt  }
0x41: {  	_ =	shalt  }
0x42: {  	_ =	shalt  }
0x43: {  	_ =	shalt  }
0x44: {  	_ =	shalt  }
0x45: {  	_ =	shalt  }
0x46: {  	_ =	shalt  }
0x47: {  	_ =	shalt  }
0x48: {  	_ =	shalt  }
0x49: {  	_ =	shalt  }
0x4a: {  	_ =	shalt  }
0x4b: {  	_ =	shalt  }
0x4c: {  	_ =	shalt  }
0x4d: {  	_ =	shalt  }
0x4e: {  	_ =	shalt  }
0x4f: {  	_ =	shalt  }
0x50: {  	_ =	shalt  }
0x51: {  	_ =	shalt  }
0x52: {  	_ =	shalt  }
0x53: {  	_ =	shalt  }
0x54: {  	_ =	shalt  }
0x55: {  	_ =	shalt  }
0x56: {  	_ =	shalt  }
0x57: {  	_ =	shalt  }
0x58: {  	_ =	shalt  }
0x59: {  	_ =	shalt  }
0x5a: {  	_ =	shalt  }
0x5b: {  	_ =	shalt  }
0x5c: {  	_ =	shalt  }
0x5d: {  	_ =	shalt  }
0x5e: {  	_ =	shalt  }
0x5f: {  	_ =	shalt  }
0x60: {  	_ =	shalt  }
0x61: {  	_ =	shalt  }
0x62: {  	_ =	shalt  }
0x63: {  	_ =	shalt  }
0x64: {  	_ =	shalt  }
0x65: {  	_ =	shalt  }
0x66: {  	_ =	shalt  }
0x67: {  	_ =	shalt  }
0x68: {  	_ =	shalt  }
0x69: {  	_ =	shalt  }
0x6a: {  	_ =	shalt  }
0x6b: {  	_ =	shalt  }
0x6c: {  	_ =	shalt  }
0x6d: {  	_ =	shalt  }
0x6e: {  	_ =	shalt  }
0x6f: {  	_ =	shalt  }
0x70: {  	_ =	shalt  }
0x71: {  	_ =	shalt  }
0x72: {  	_ =	shalt  }
0x73: {  	_ =	shalt  }
0x74: {  	_ =	shalt  }
0x75: {  	_ =	shalt  }
0x76: {  	_ =	shalt  }
0x77: {  	_ =	shalt  }
0x78: {  	_ =	shalt  }
0x79: {  	_ =	shalt  }
0x7a: {  	_ =	shalt  }
0x7b: {  	_ =	shalt  }
0x7c: {  	_ =	shalt  }
0x7d: {  	_ =	shalt  }
0x7e: {  	_ =	shalt  }
0x7f: {  	_ =	shalt  }
0x80: {  	_ =	shalt  }
0x81: {  	_ =	shalt  }
0x82: {  	_ =	shalt  }
0x83: {  	_ =	shalt  }
0x84: {  	_ =	shalt  }
0x85: {  	_ =	shalt  }
0x86: {  	_ =	shalt  }
0x87: {  	_ =	shalt  }
.Lfunc_end0:
.L_simem_size_0:
called_computation_lowered:
.L_overlay_start_0:
0x88: {  	s2 =	sld [smem:$0x3FD9]  }
0x89: {  	s3 =	sld [smem:$0x3FFE];
	_ =	sdelay $0x1  }
0x8a: {  	s1 =	srdreg.scid  }
0x8b: {  	s0 =	sand.u32 $0x1, s1  }
0x8c: {  	s16 =	sshll.u32 s0, $0xA;
	s2 =	sadd.s32 s3, s2  }
0x8d: {  	s2 =	sadd.s32 s2, s16  }
0x8e: {  	[smem:$0x3FC4] =	sst s2  }
0x8f: {  	_ = 	snop  }
0x90: {  	(tm) =	ssettm $0x1  }
0x91: {  	s17 =	sld [smem:$0x3FFB];
	_ =	sdelay $0x3  }
0x92: {  	_ =	strace s17  }
0x93: {  	s2 =	sld [smem:$0x3FFC];
	_ =	sdelay $0x3  }
0x94: {  	_ =	strace s2  }
0x95: {  	s2 =	sld [smem:$0x3FFD];
	_ =	sdelay $0x3  }
0x96: {  	_ =	strace s2  }
0x97: {  	_ =	strace $0x8FFFFFFF  }
0x98: {  	s18 =	sld [smem:$0x3FDB];
	_ =	sdelay $0x1  }
0x99: {  	s19 =	simm.s32 $_scs_section_size  }
0x9a: {  	s4 =	simm.s32 $_size__tile_overlayer_lowered;
	s5 =	simm.s32 $_tile_overlayer_lowered  }
0x9b: {  	s22 =	simm.s32 $0x1BFF;
	s21 =	sshll.u32 s5, $0x1;
	s2 =	sadd.s32 s19, s18  }
0x9c: {  	s6 =	simm.s32 $0x0;
	s20 =	sshll.u32 s4, $0x1;
	s4 =	sadd.s32 s21, s2  }
0x9d: {  	[timem:s6], [sflag:s22] =	dma.local [hbm:s4], s20  }
0x9e: {  	_ =	swait.ge [sflag:s22], s20  }
0x9f: {  	s3 =	ssub.s32 $0x0, s20;
	[sflag:s22] =	ssyncset.done $0x0  }
0xa0: {  	[sflag:s22] =	ssyncadd.s32 s3;
	_ =	sdelay $0x1  }
0xa1: {  	s23 =	simm.s32 $0x1B8B  }
0xa2: {  	_ =	swait.ge [sflag:s23], $0x1  }
0xa3: {  	[sflag:s23] =	ssyncset.done $0x0  }
0xa4: {  	s25 =	simm.s32 $0x1B8E;
	s24 =	sld [smem:$0x3FFE];
	[sflag:s23] =	ssyncadd.s32 $0xFFFFFFFF  }
0xa5: {  	s26 =	simm.s32 $execute0_lowered;
	[smem:$0x3FD2] =	sst s25  }
0xa6: {  	s4 =	sshll.u32 s26, $0x1;
	_ =	strace $0x80000046;
	[dreg:$0x1] =	wrdreg $0xFFFFFFFF  }
0xa7: {  	s28 =	simm.s32 $_size_execute0_lowered;
	s2 =	sadd.s32 s2, s4;
	[dreg:$0x0] =	wrdreg $0x0  }
0xa8: {  	s4 =	sshll.u32 s28, $0x1;
	[dreg:$0x2] =	wrdreg s2  }
0xa9: {  	[dreg:$0x3] =	wrdreg s4  }
0xaa: {  	[dreg:$0x4] =	wrdreg $0xC0  }
0xab: {  	_ =	task [dreg:s6], $0x5FFFF  }
0xac: {  	[dreg:$0x1] =	wrdreg $0xFFFFFFFF  }
0xad: {  	[dreg:$0x0] =	wrdreg $0x60  }
0xae: {  	[dreg:$0x2] =	wrdreg s24  }
0xaf: {  	[dreg:$0x3] =	wrdreg $0x9  }
0xb0: {  	_ =	task.clear_ibuf [dreg:s6], $0x4FFFF;
	_ =	strace $0x90000046  }
0xb1: {  	s29 =	simm.s32 $0x9;
	_ =	strace $0x80000048  }
0xb2: {  	_ =	swait.ge [sflag:s29], $0x1  }
0xb3: {  	[sflag:s29] =	ssyncadd.s32 $0xFFFFFFFF  }
0xb4: {  	_ =	strace $0x90000048  }
0xb5: {  	_ =	sfence  }
0xb6: {  	s30 =	sld [smem:$0x0];
	_ =	sdelay $0x2  }
0xb7: {  	s31 =	sshll.u32 s1, $0xD;
	s1 =	sshrl.u32 s1, $0x2  }
0xb8: {  	s3 =	sand.u32 $0x4000, s31;
	s1 =	sadd.s32 s1, s30  }
0xb9: {  	s0 =	sor.u32 s3, s0;
	s1 =	sshll.u32 s1, $0x11  }
0xba: {  	s0 =	sor.u32 s1, s0  }
0xbb: {  	s0 =	sadd.s32 $0x8F2B, s0  }
0xbc: {  	[sflag:s0] =	ssyncadd.remote.s32 $0x1  }
0xbd: {  	_ =	sfence.sel $0xFFFF  }
0xbe: {  	[dreg:$0x0] =	wrdreg $0xFFFFFFFF;
	(pc) =	sbr.abs _section_cstart, $3  }
0xbf: {  	[dreg:$0x1] =	wrdreg $0xFFFFFFFF  }
0xc0: {  	_ =	task.clear_ibuf [dreg:s6], $0x2FFFF;
	_ =	strace $0x9FFFFFFF  }
0xc1: {  	(tm) =	ssettm $0x7FFFFFFF  }
tec
execute0_lowered:
.L_overlay_start_1:
0x0: {  	(tag) =	ssettag $0x1  }
0x1: {  	s6 =	rddreg [dreg:$0x0];
	s3 =	simm.s32 $0x0  }
0x2: {  	s8 =	simm.s32 $0x1180;
	[smem:$0x7FF] =	sst s3  }
0x3: {  	s9 =	simm.s32 $0x468;
	_ =	strace $0x80000047;
	[dreg:$0x4] =	wrdreg s8  }
0x4: {  	s10 =	simm.s32 $0x1E00;
	[dreg:$0x5] =	wrdreg s9  }
0x5: {  	s11 =	simm.s32 $0x4D0;
	[dreg:$0x6] =	wrdreg s10  }
0x6: {  	s12 =	simm.s32 $0x2A80;
	[dreg:$0x7] =	wrdreg s11  }
0x7: {  	s13 =	simm.s32 $0x538;
	[dreg:$0x8] =	wrdreg s12  }
0x8: {  	s14 =	simm.s32 $0x3700;
	[dreg:$0x9] =	wrdreg s13  }
0x9: {  	s15 =	simm.s32 $0x4380;
	[dreg:$0xa] =	wrdreg s14  }
0xa: {  	s16 =	simm.s32 $0x5A0;
	[dreg:$0xb] =	wrdreg s15  }
0xb: {  	s17 =	simm.s32 $0x4400;
	[dreg:$0xc] =	wrdreg s16  }
0xc: {  	s18 =	simm.s32 $0x608;
	[dreg:$0xd] =	wrdreg s17  }
0xd: {  	s19 =	simm.s32 $0x5080;
	[dreg:$0xe] =	wrdreg s18  }
0xe: {  	s20 =	simm.s32 $0x670;
	[dreg:$0xf] =	wrdreg s19  }
0xf: {  	s21 =	simm.s32 $0x5D00;
	[dreg:$0x10] =	wrdreg s20  }
0x10: {  	s22 =	simm.s32 $0x6D8;
	[dreg:$0x11] =	wrdreg s21  }
0x11: {  	s23 =	simm.s32 $0x6980;
	[dreg:$0x12] =	wrdreg s22  }
0x12: {  	s24 =	simm.s32 $0x7600;
	[dreg:$0x13] =	wrdreg s23  }
0x13: {  	s25 =	simm.s32 $0x740;
	[dreg:$0x14] =	wrdreg s24  }
0x14: {  	s26 =	simm.s32 $0x7680;
	[dreg:$0x15] =	wrdreg s25  }
0x15: {  	s28 =	simm.s32 $0x7A8;
	[dreg:$0x16] =	wrdreg s26  }
0x16: {  	s29 =	simm.s32 $0x8300;
	[dreg:$0x17] =	wrdreg s28  }
0x17: {  	s30 =	simm.s32 $0x810;
	[dreg:$0x18] =	wrdreg s29  }
0x18: {  	s31 =	simm.s32 $0x8F80;
	[dreg:$0x19] =	wrdreg s30  }
0x19: {  	s5 =	simm.s32 $0x9C00;
	[dreg:$0x1a] =	wrdreg s31  }
0x1a: {  	[dreg:$0x1c] =	wrdreg s5;
	s8 =	simm.s32 $0x8E0  }
0x1b: {  	s9 =	simm.s32 $0xA900;
	[dreg:$0x1e] =	wrdreg s8  }
0x1c: {  	s10 =	simm.s32 $0x948;
	[dreg:$0x1f] =	wrdreg s9  }
0x1d: {  	s11 =	simm.s32 $0xB580;
	[smem:$0x7D1] =	sst s10  }
0x1e: {  	s12 =	simm.s32 $0x9B0;
	[smem:$0x7D2] =	sst s11  }
0x1f: {  	s13 =	simm.s32 $0xC200;
	[smem:$0x7D3] =	sst s12  }
0x20: {  	s14 =	simm.s32 $0xA18;
	[smem:$0x7D4] =	sst s13  }
0x21: {  	s15 =	simm.s32 $0xCE80;
	[smem:$0x7D5] =	sst s14  }
0x22: {  	s16 =	simm.s32 $0xDB80;
	[smem:$0x7D6] =	sst s15  }
0x23: {  	s17 =	simm.s32 $0xAE8;
	[smem:$0x7D7] =	sst s16  }
0x24: {  	s18 =	simm.s32 $0xE800;
	[smem:$0x7D8] =	sst s17  }
0x25: {  	s19 =	simm.s32 $0xB50;
	[smem:$0x7D9] =	sst s18  }
0x26: {  	s20 =	simm.s32 $0xF480;
	[smem:$0x7DA] =	sst s19  }
0x27: {  	s21 =	simm.s32 $0xBB8;
	[smem:$0x7DB] =	sst s20  }
0x28: {  	s22 =	simm.s32 $0x10100;
	[smem:$0x7DC] =	sst s21  }
0x29: {  	s23 =	simm.s32 $0x10D80;
	[smem:$0x7DD] =	sst s22  }
0x2a: {  	s25 =	simm.s32 $0xC20;
	[smem:$0x7DE] =	sst s23  }
0x2b: {  	s26 =	simm.s32 $0x10E00;
	[smem:$0x7DF] =	sst s25  }
0x2c: {  	s5 =	simm.s32 $0xC88;
	[smem:$0x7E0] =	sst s26  }
0x2d: {  	s28 =	simm.s32 $0x11A80;
	[smem:$0x7E1] =	sst s5  }
0x2e: {  	s29 =	simm.s32 $0x12700;
	[smem:$0x7E2] =	sst s28  }
0x2f: {  	s2 =	stileid.u32;
	s30 =	simm.s32 $0xD58;
	[smem:$0x7E4] =	sst s29  }
0x30: {  	s1 =	sshll.u32 s2, $0x1;
	s9 =	simm.s32 $0xCF0;
	[smem:$0x7E5] =	sst s30  }
0x31: {  	s8 =	smul.u32 $0x65000, s2;
	s2 =	simm.s32 $0x13380;
	[smem:$0x7E3] =	sst s9  }
0x32: {  	s11 =	simm.s32 $0x14080;
	[smem:$0x7E6] =	sst s2  }
0x33: {  	s13 =	simm.s32 $0xE28;
	[smem:$0x7EA] =	sst s11  }
0x34: {  	s15 =	simm.s32 $0x14D00;
	[smem:$0x7EB] =	sst s13  }
0x35: {  	s16 =	simm.s32 $0xE90;
	[smem:$0x7EE] =	sst s15  }
0x36: {  	s17 =	simm.s32 $0x15980;
	[smem:$0x7EF] =	sst s16  }
0x37: {  	s20 =	simm.s32 $0xEF8;
	[smem:$0x7F1] =	sst s17  }
0x38: {  	s21 =	simm.s32 $0x16600;
	[smem:$0x7F2] =	sst s20  }
0x39: {  	s0 =	srdreg.scid;
	s22 =	simm.s32 $0x17280;
	[smem:$0x7F4] =	sst s21  }
0x3a: {  	s0 =	sand.u32 $0x1, s0;
	s23 =	simm.s32 $0xF60;
	[smem:$0x7F5] =	sst s22  }
0x3b: {  	s1 =	sor.u32 s0, s1;
	s25 =	simm.s32 $0xFC8;
	[smem:$0x7F6] =	sst s23  }
0x3c: {  	s31 =	ssub.s32 $0x2, s0;
	s26 =	simm.s32 $0x17F80;
	[smem:$0x7F8] =	sst s25  }
0x3d: {  	s0 =	smul.u32 $0x32800, s0;
	s28 =	simm.s32 $0x1030;
	[smem:$0x7F9] =	sst s26  }
0x3e: {  	s7 =	sshll.u32 s1, $0x5;
	s29 =	simm.s32 $0x18C00;
	[smem:$0x7FA] =	sst s28  }
0x3f: {  	s24 =	sshll.u32 s1, $0x7;
	s30 =	simm.s32 $0x1098;
	[smem:$0x7FB] =	sst s29  }
0x40: {  	s19 =	sadd.s32 $0x21000, s6;
	s4 =	sor.u32 $0x2, s7;
	[smem:$0x7FC] =	sst s30  }
0x41: {  	s5 =	sadd.s32 $0x1C00, s6;
	s3 =	sor.u32 $0x3, s7;
	[dreg:$0x2] =	wrdreg s4  }
0x42: {  	s10 =	sshrl.u32 s31, $0x1;
	s7 =	simm.s32 $0xA880;
	[dreg:$0x3] =	wrdreg s3  }
0x43: {  	s9 =	ssub.s32 s31, s10;
	s10 =	simm.s32 $0xDC0;
	[dreg:$0x1d] =	wrdreg s7  }
0x44: {  	s1 =	smul.u32 $0x1A00, s1;
	s31 =	simm.s32 $0x19880;
	[smem:$0x7E8] =	sst s10  }
0x45: {  	s15 =	simm.s32 $0x4;
	s4 =	simm.s32 $0x878;
	[smem:$0x7FD] =	sst s31  }
0x46: {  	s17 =	simm.s32 $0x64;
	s3 =	simm.s32 $0x14000;
	[dreg:$0x1b] =	wrdreg s4  }
0x47: {  	s23 =	simm.s32 $0xDB00;
	s14 =	sadd.s32 s19, s1;
	[smem:$0x7E7] =	sst s3  }
0x48: {  	s7 =	sadd.s32 s24, s6;
	s18 =	smax.u32 s9, $0x1;
	[smem:$0x7EC] =	sst s14  }
0x49: {  	s24 =	simm.s32 $0x17300;
	s4 =	sadd.s32 $0x55000, s6;
	[smem:$0x7F0] =	sst s18  }
0x4a: {  	s6 =	sadd.s32 s8, s6;
	s12 =	sadd.s32 $0xC00, s7;
	[smem:$0x7F7] =	sst s24  }
0x4b: {  	s2 =	sadd.s32 $0xD0, s14;
	[smem:$0x7E9] =	sst s12;
	s0 =	sadd.s32 s0, s6  }
0x4c: {  	s13 =	simm.s32 $0x1;
	[smem:$0x7ED] =	sst s2;
	s0 =	sadd.s32 $0x118600, s0  }
0x4d: {  	s16 =	simm.s32 $0x2;
	s2 =	simm.s32 $0x0;
	[smem:$0x7F3] =	sst s0  }
.LBB2_1:
0x4e: {  	s1 =	sld [smem:$0x7E9];
	_ =	sdelay $0x1  }
0x4f: {  	[smem:$0x7D0] =	sst s2;
	s0 =	simm.s32 $0x0;
	s14 =	simm.s32 $0x7  }
0x50: {  	[tilespmem:s0], [sflag:$0x7] =	stream.linear.gather [hbm4b:s1+s0], $0x400, $0x38;
	[tilespmem:$0x1A500] =	vst v63  }
0x51: {  	_ =	swait.ge [sflag:s14], $0x400  }
0x52: {  	s18 =	sld [smem:$0x7EC]  }
0x53: {  	[sflag:s14] =	ssyncset.done $0x0  }
0x54: {  	s20 =	simm.s32 $0x400;
	s21 =	sld [smem:$0x7ED];
	[sflag:s14] =	ssyncadd.s32 $0xFFFFFC00  }
0x55: {  	[tilespmem:s20], [sflag:$0x3] =	stream.linear.gather [hbm4b:s18+s0], $0x680, $0x38;
	[tilespmem:$0x1A500] =	vst v63  }
0x56: {  	s10 =	simm.s32 $0xA80;
	p0 =	por $0x1, $0x1  }
0x57: {  	[tilespmem:s10], [sflag:$0x4] =	stream.linear.gather [hbm4b:s21+s0], $0x680, $0x38;
	[tilespmem:$0x1A500] =	vst v63  }
0x58: {  	s0 =	simm.s32 @!p0 $0x5  }
0x59: {  	_ =	swait.ge @!p0 [sflag:s0], $0xCA00  }
0x5a: {  	[sflag:s0] =	ssyncset.done @!p0 $0x0  }
0x5b: {  	s7 =	simm.s32 $0x3;
	[sflag:s0] =	ssyncadd.s32 @!p0 $0xFFFF3600  }
0x5c: {  	_ =	swait.ge [sflag:s7], $0x680  }
0x5d: {  	s22 =	rddreg [dreg:$0xc]  }
0x5e: {  	s1 =	sld [smem:$0x7D6]  }
0x5f: {  	s6 =	rddreg [dreg:$0xb]  }
0x60: {  	s8 =	sld [smem:$0x7D2]  }
0x61: {  	s9 =	rddreg [dreg:$0xa]  }
0x62: {  	s24 =	rddreg [dreg:$0x1c]  }
0x63: {  	s25 =	rddreg [dreg:$0x18]  }
0x64: {  	s26 =	rddreg [dreg:$0x7]  }
0x65: {  	s28 =	rddreg [dreg:$0x5]  }
0x66: {  	s30 =	rddreg [dreg:$0x4]  }
0x67: {  	s31 =	rddreg [dreg:$0x6]  }
0x68: {  	s11 =	rddreg [dreg:$0x11]  }
0x69: {  	s12 =	rddreg [dreg:$0x12]  }
0x6a: {  	s14 =	rddreg [dreg:$0x16]  }
0x6b: {  	s29 =	simm.s32 $0x0;
	[sflag:s7] =	ssyncset.done $0x0;
	s18 =	rddreg [dreg:$0x14]  }
0x6c: {  	s3 =	simm.s32 $0x1100;
	s2 =	rddreg [dreg:$0x1f];
	[sflag:s7] =	ssyncadd.s32 $0xFFFFF980  }
0x6d: {  	[tilespmem:s3], [sflag:$0x1] =	stream.indirect.gather [hbm4b:s4+s15], $0x20, s29, s15, $0xb8;
	[tilespmem:$0x1A500] =	vst v63  }
0x6e: {  	s7 =	rddreg [dreg:$0xe]  }
0x6f: {  	[tilespmem:s30], [sflag:$0x1] =	stream.indirect.gather [hbm4b:s5+s17], $0x20, s20, s17, $0xb8;
	[tilespmem:$0x1A500] =	vst v63  }
0x70: {  	s3 =	rddreg [dreg:$0xd]  }
0x71: {  	[tilespmem:s31], [sflag:$0x1] =	stream.indirect.gather [hbm4b:s5+s17], $0x20, s28, s17, $0xb8;
	[tilespmem:$0x1A500] =	vst v63  }
0x72: {  	s30 =	rddreg [dreg:$0x8]  }
0x73: {  	[tilespmem:s30], [sflag:$0x1] =	stream.indirect.gather [hbm4b:s5+s17], $0x20, s26, s17, $0xb8;
	[tilespmem:$0x1A500] =	vst v63  }
0x74: {  	s31 =	rddreg [dreg:$0x9]  }
0x75: {  	[tilespmem:s9], [sflag:$0x1] =	stream.indirect.gather [hbm4b:s5+s17], $0x20, s31, s17, $0xb8;
	[tilespmem:$0x1A500] =	vst v63  }
0x76: {  	s20 =	rddreg [dreg:$0x17];
	s31 =	simm.s32 $0x8  }
0x77: {  	[tilespmem:s6], [sflag:$0x1] =	stream.indirect.gather [hbm4b:s4+s15], $0x20, s31, s15, $0xb8;
	[tilespmem:$0x1A500] =	vst v63  }
0x78: {  	s28 =	rddreg [dreg:$0x13]  }
0x79: {  	[tilespmem:s3], [sflag:$0x1] =	stream.indirect.gather [hbm4b:s5+s17], $0x20, s22, s17, $0xb8;
	[tilespmem:$0x1A500] =	vst v63  }
0x7a: {  	s30 =	rddreg [dreg:$0xf]  }
0x7b: {  	[tilespmem:s30], [sflag:$0x1] =	stream.indirect.gather [hbm4b:s5+s17], $0x20, s7, s17, $0xb8;
	[tilespmem:$0x1A500] =	vst v63  }
0x7c: {  	s31 =	rddreg [dreg:$0x10]  }
0x7d: {  	[tilespmem:s11], [sflag:$0x1] =	stream.indirect.gather [hbm4b:s5+s17], $0x20, s31, s17, $0xb8;
	[tilespmem:$0x1A500] =	vst v63  }
0x7e: {  	s22 =	rddreg [dreg:$0x1b]  }
0x7f: {  	[tilespmem:s28], [sflag:$0x1] =	stream.indirect.gather [hbm4b:s5+s17], $0x20, s12, s17, $0xb8;
	[tilespmem:$0x1A500] =	vst v63  }
0x80: {  	s21 =	simm.s32 $0x10;
	s3 =	rddreg [dreg:$0x1d]  }
0x81: {  	[tilespmem:s18], [sflag:$0x1] =	stream.indirect.gather [hbm4b:s4+s15], $0x20, s21, s15, $0xb8;
	[tilespmem:$0x1A500] =	vst v63  }
0x82: {  	s30 =	rddreg [dreg:$0x15]  }
0x83: {  	[tilespmem:s14], [sflag:$0x1] =	stream.indirect.gather [hbm4b:s5+s17], $0x20, s30, s17, $0xb8;
	[tilespmem:$0x1A500] =	vst v63  }
0x84: {  	s31 =	rddreg [dreg:$0x1a]  }
0x85: {  	[tilespmem:s25], [sflag:$0x1] =	stream.indirect.gather [hbm4b:s5+s17], $0x20, s20, s17, $0xb8;
	[tilespmem:$0x1A500] =	vst v63  }
0x86: {  	s28 =	rddreg [dreg:$0x19]  }
0x87: {  	[tilespmem:s31], [sflag:$0x1] =	stream.indirect.gather [hbm4b:s5+s17], $0x20, s28, s17, $0xb8;
	[tilespmem:$0x1A500] =	vst v63  }
0x88: {  	s7 =	rddreg [dreg:$0x1e]  }
0x89: {  	[tilespmem:s24], [sflag:$0x1] =	stream.indirect.gather [hbm4b:s5+s17], $0x20, s22, s17, $0xb8;
	[tilespmem:$0x1A500] =	vst v63  }
0x8a: {  	s11 =	simm.s32 $0x18;
	s12 =	sld [smem:$0x7D1]  }
0x8b: {  	[tilespmem:s3], [sflag:$0x1] =	stream.indirect.gather [hbm4b:s4+s15], $0x20, s11, s15, $0xb8;
	[tilespmem:$0x1A500] =	vst v63  }
0x8c: {  	s18 =	sld [smem:$0x7D3]  }
0x8d: {  	[tilespmem:s2], [sflag:$0x1] =	stream.indirect.gather [hbm4b:s5+s17], $0x20, s7, s17, $0xb8;
	[tilespmem:$0x1A500] =	vst v63  }
0x8e: {  	s14 =	sld [smem:$0x7D4]  }
0x8f: {  	[tilespmem:s8], [sflag:$0x1] =	stream.indirect.gather [hbm4b:s5+s17], $0x20, s12, s17, $0xb8;
	[tilespmem:$0x1A500] =	vst v63  }
0x90: {  	s20 =	sld [smem:$0x7D5]  }
0x91: {  	[tilespmem:s14], [sflag:$0x1] =	stream.indirect.gather [hbm4b:s5+s17], $0x20, s18, s17, $0xb8;
	[tilespmem:$0x1A500] =	vst v63  }
0x92: {  	s0 =	simm.s32 @!p0 $0x6  }
0x93: {  	[tilespmem:s1], [sflag:$0x1] =	stream.indirect.gather [hbm4b:s5+s17], $0x20, s20, s17, $0xb8;
	[tilespmem:$0x1A500] =	vst v63  }
0x94: {  	_ =	swait.ge @!p0 [sflag:s0], $0xCA00  }
0x95: {  	[sflag:s0] =	ssyncset.done @!p0 $0x0  }
0x96: {  	[sflag:s0] =	ssyncadd.s32 @!p0 $0xFFFF3600  }
0x97: {  	_ =	swait.ge [sflag:s15], $0x680  }
0x98: {  	s1 =	sld [smem:$0x7F6]  }
0x99: {  	s31 =	sld [smem:$0x7FD]  }
0x9a: {  	s21 =	sld [smem:$0x7E0]  }
0x9b: {  	s9 =	sld [smem:$0x7EA]  }
0x9c: {  	s0 =	sld [smem:$0x7F7]  }
0x9d: {  	s22 =	sld [smem:$0x7E5]  }
0x9e: {  	s2 =	sld [smem:$0x7E2]  }
0x9f: {  	s3 =	sld [smem:$0x7D8]  }
0xa0: {  	s7 =	sld [smem:$0x7DA]  }
0xa1: {  	s30 =	sld [smem:$0x7D7]  }
0xa2: {  	s11 =	sld [smem:$0x7DD]  }
0xa3: {  	s12 =	sld [smem:$0x7E4]  }
0xa4: {  	s6 =	sld [smem:$0x7F4]  }
0xa5: {  	s18 =	sld [smem:$0x7E3]  }
0xa6: {  	[sflag:s15] =	ssyncset.done $0x0;
	s20 =	sld [smem:$0x7EE]  }
0xa7: {  	s28 =	simm.s32 $0x20;
	s24 =	sld [smem:$0x7EB];
	[sflag:s15] =	ssyncadd.s32 $0xFFFFF980  }
0xa8: {  	[tilespmem:s23], [sflag:$0x2] =	stream.indirect.gather [hbm4b:s4+s15], $0x20, s28, s15, $0xb8;
	[tilespmem:$0x1A500] =	vst v63  }
0xa9: {  	s28 =	sld [smem:$0x7D9]  }
0xaa: {  	[tilespmem:s30], [sflag:$0x2] =	stream.indirect.gather [hbm4b:s5+s17], $0x20, s10, s17, $0xb8;
	[tilespmem:$0x1A500] =	vst v63  }
0xab: {  	s30 =	sld [smem:$0x7DB]  }
0xac: {  	[tilespmem:s28], [sflag:$0x2] =	stream.indirect.gather [hbm4b:s5+s17], $0x20, s3, s17, $0xb8;
	[tilespmem:$0x1A500] =	vst v63  }
0xad: {  	s28 =	sld [smem:$0x7DC]  }
0xae: {  	[tilespmem:s30], [sflag:$0x2] =	stream.indirect.gather [hbm4b:s5+s17], $0x20, s7, s17, $0xb8;
	[tilespmem:$0x1A500] =	vst v63  }
0xaf: {  	s30 =	sld [smem:$0x7DE]  }
0xb0: {  	[tilespmem:s11], [sflag:$0x2] =	stream.indirect.gather [hbm4b:s5+s17], $0x20, s28, s17, $0xb8;
	[tilespmem:$0x1A500] =	vst v63  }
0xb1: {  	s14 =	simm.s32 $0x28;
	s28 =	sld [smem:$0x7DF]  }
0xb2: {  	[tilespmem:s30], [sflag:$0x2] =	stream.indirect.gather [hbm4b:s4+s15], $0x20, s14, s15, $0xb8;
	[tilespmem:$0x1A500] =	vst v63  }
0xb3: {  	s30 =	sld [smem:$0x7E1]  }
0xb4: {  	[tilespmem:s21], [sflag:$0x2] =	stream.indirect.gather [hbm4b:s5+s17], $0x20, s28, s17, $0xb8;
	[tilespmem:$0x1A500] =	vst v63  }
0xb5: {  	s26 =	sld [smem:$0x7EF]  }
0xb6: {  	[tilespmem:s2], [sflag:$0x2] =	stream.indirect.gather [hbm4b:s5+s17], $0x20, s30, s17, $0xb8;
	[tilespmem:$0x1A500] =	vst v63  }
0xb7: {  	s30 =	sld [smem:$0x7E6]  }
0xb8: {  	[tilespmem:s12], [sflag:$0x2] =	stream.indirect.gather [hbm4b:s5+s17], $0x20, s18, s17, $0xb8;
	[tilespmem:$0x1A500] =	vst v63  }
0xb9: {  	s21 =	sld [smem:$0x7E7]  }
0xba: {  	[tilespmem:s30], [sflag:$0x2] =	stream.indirect.gather [hbm4b:s5+s17], $0x20, s22, s17, $0xb8;
	[tilespmem:$0x1A500] =	vst v63  }
0xbb: {  	s23 =	sld [smem:$0x7E8];
	s22 =	simm.s32 $0x30  }
0xbc: {  	[tilespmem:s21], [sflag:$0x2] =	stream.indirect.gather [hbm4b:s4+s15], $0x20, s22, s15, $0xb8;
	[tilespmem:$0x1A500] =	vst v63  }
0xbd: {  	s8 =	sld [smem:$0x7F5]  }
0xbe: {  	[tilespmem:s9], [sflag:$0x2] =	stream.indirect.gather [hbm4b:s5+s17], $0x20, s23, s17, $0xb8;
	[tilespmem:$0x1A500] =	vst v63  }
0xbf: {  	s28 =	sld [smem:$0x7F1]  }
0xc0: {  	[tilespmem:s20], [sflag:$0x2] =	stream.indirect.gather [hbm4b:s5+s17], $0x20, s24, s17, $0xb8;
	[tilespmem:$0x1A500] =	vst v63  }
0xc1: {  	s24 =	sld [smem:$0x7F3]  }
0xc2: {  	s25 =	simm.s32 $0x0;
	s9 =	sld [smem:$0x7F2]  }
0xc3: {  	[tilespmem:s28], [sflag:$0x2] =	stream.indirect.gather [hbm4b:s5+s17], $0x20, s26, s17, $0xb8;
	[tilespmem:$0x1A500] =	vst v63  }
0xc4: {  	s30 =	simm.s32 $0x2;
	s26 =	simm.s32 $0x100;
	s28 =	sadd.s32 $0x3280, s24  }
.LBB2_2:
0xc5: {  	s11 =	sld [smem:$0x7FB]  }
0xc6: {  	[tilespmem:s6], [sflag:$0x2] =	stream.indirect.gather [hbm4b:s5+s17], $0x20, s9, s17, $0xb8;
	[tilespmem:$0x1A500] =	vst v63  }
0xc7: {  	s7 =	sadd.s32 $0x38, s29;
	s3 =	sld [smem:$0x7F9]  }
0xc8: {  	[tilespmem:s8], [sflag:$0x2] =	stream.indirect.gather [hbm4b:s4+s15], $0x20, s7, s15, $0xb8;
	[tilespmem:$0x1A500] =	vst v63  }
0xc9: {  	s8 =	sld [smem:$0x7F8]  }
0xca: {  	[tilespmem:s0], [sflag:$0x2] =	stream.indirect.gather [hbm4b:s5+s17], $0x20, s1, s17, $0xb8;
	[tilespmem:$0x1A500] =	vst v63  }
0xcb: {  	s9 =	sld [smem:$0x7FA]  }
0xcc: {  	[tilespmem:s3], [sflag:$0x2] =	stream.indirect.gather [hbm4b:s5+s17], $0x20, s8, s17, $0xb8;
	[tilespmem:$0x1A500] =	vst v63  }
0xcd: {  	s10 =	sld [smem:$0x7FC]  }
0xce: {  	[tilespmem:s11], [sflag:$0x2] =	stream.indirect.gather [hbm4b:s5+s17], $0x20, s9, s17, $0xb8;
	[tilespmem:$0x1A500] =	vst v63  }
0xcf: {  	_ = 	snop  }
0xd0: {  	[tilespmem:s31], [sflag:$0x2] =	stream.indirect.gather [hbm4b:s5+s17], $0x20, s10, s17, $0xb8;
	[tilespmem:$0x1A500] =	vst v63  }
0xd1: {  	_ =	swait.ge [sflag:s13], $0xCA00  }
0xd2: {  	s14 =	smin.u32 s25, $0x1D;
	s12 =	rddreg [dreg:$0x2]  }
0xd3: {  	s2 =	simm.s32 $0x0;
	[sflag:s13] =	ssyncset.done $0x0;
	s0 =	sadd.s32 s14, s12  }
0xd4: {  	[sflag:s13] =	ssyncadd.s32 $0xFFFF3600;
	s14 =	simm.s32 $0x1100;
	s0 =	smul.u32 $0xD0, s0  }
0xd5: {  	[hbm4b:s24+s2] =	stream.linear.scatter [tilespmem:s14], [sflag:$0x5], $0xCA00, $0x38;
	[tilespmem:$0x1A500] =	vst v63  }
0xd6: {  	s20 =	simm.s32 $0x400;
	s0 =	sadd.s32 s19, s0  }
0xd7: {  	[tilespmem:s20], [sflag:$0x3] =	stream.linear.gather [hbm4b:s0+s2], $0x680, $0x38;
	[tilespmem:$0x1A500] =	vst v63  }
0xd8: {  	s29 =	smov.u32 s26;
	_ =	swait.ge [sflag:s16], $0xCA00  }
0xd9: {  	s21 =	sadd.s32 $0x1940, s24;
	s22 =	smin.u32 s25, $0x1C;
	s18 =	rddreg [dreg:$0x3]  }
0xda: {  	p1 =	seq.s32 s29, $0x0;
	[sflag:s16] =	ssyncset.done $0x0;
	s0 =	sadd.s32 s22, s18  }
0xdb: {  	s3 =	simm.s32 $0xDB00;
	[sflag:s16] =	ssyncadd.s32 $0xFFFF3600;
	s0 =	smul.u32 $0xD0, s0  }
0xdc: {  	[hbm4b:s21+s2] =	stream.linear.scatter [tilespmem:s3], [sflag:$0x6], $0xCA00, $0x38;
	[tilespmem:$0x1A500] =	vst v63  }
0xdd: {  	s23 =	simm.s32 $0xA80;
	s1 =	simm.s32 @!p1 $0x5;
	s0 =	sadd.s32 s19, s0  }
0xde: {  	[tilespmem:s23], [sflag:$0x4] =	stream.linear.gather [hbm4b:s0+s2], $0x680, $0x38;
	[tilespmem:$0x1A500] =	vst v63  }
0xdf: {  	_ =	swait.ge @!p1 [sflag:s1], $0xCA00  }
0xe0: {  	[sflag:s1] =	ssyncset.done @!p1 $0x0  }
0xe1: {  	s2 =	simm.s32 $0x3;
	[sflag:s1] =	ssyncadd.s32 @!p1 $0xFFFF3600  }
0xe2: {  	_ =	swait.ge [sflag:s2], $0x680  }
0xe3: {  	s7 =	rddreg [dreg:$0xc]  }
0xe4: {  	s0 =	sld [smem:$0x7D6]  }
0xe5: {  	s9 =	rddreg [dreg:$0xb]  }
0xe6: {  	s1 =	sld [smem:$0x7D2]  }
0xe7: {  	s11 =	rddreg [dreg:$0xa]  }
0xe8: {  	s6 =	rddreg [dreg:$0x1c]  }
0xe9: {  	s8 =	rddreg [dreg:$0x18]  }
0xea: {  	s31 =	rddreg [dreg:$0x7]  }
0xeb: {  	s21 =	rddreg [dreg:$0x13]  }
0xec: {  	s22 =	rddreg [dreg:$0xd]  }
0xed: {  	s10 =	rddreg [dreg:$0x8]  }
0xee: {  	s23 =	rddreg [dreg:$0xf]  }
0xef: {  	s12 =	rddreg [dreg:$0x9]  }
0xf0: {  	s13 =	rddreg [dreg:$0x5]  }
0xf1: {  	[sflag:s2] =	ssyncset.done $0x0;
	s3 =	rddreg [dreg:$0x4]  }
0xf2: {  	s29 =	sshra.s32 s29, $0x2;
	s18 =	rddreg [dreg:$0x6];
	[sflag:s2] =	ssyncadd.s32 $0xFFFFF980  }
0xf3: {  	[tilespmem:s14], [sflag:$0x1] =	stream.indirect.gather [hbm4b:s4+s15], $0x20, s29, s15, $0xb8;
	[tilespmem:$0x1A500] =	vst v63  }
0xf4: {  	s16 =	rddreg [dreg:$0x10]  }
0xf5: {  	[tilespmem:s3], [sflag:$0x1] =	stream.indirect.gather [hbm4b:s5+s17], $0x20, s20, s17, $0xb8;
	[tilespmem:$0x1A500] =	vst v63  }
0xf6: {  	s2 =	rddreg [dreg:$0x11]  }
0xf7: {  	[tilespmem:s18], [sflag:$0x1] =	stream.indirect.gather [hbm4b:s5+s17], $0x20, s13, s17, $0xb8;
	[tilespmem:$0x1A500] =	vst v63  }
0xf8: {  	s14 =	rddreg [dreg:$0xe]  }
0xf9: {  	[tilespmem:s10], [sflag:$0x1] =	stream.indirect.gather [hbm4b:s5+s17], $0x20, s31, s17, $0xb8;
	[tilespmem:$0x1A500] =	vst v63  }
0xfa: {  	s20 =	rddreg [dreg:$0x17]  }
0xfb: {  	[tilespmem:s11], [sflag:$0x1] =	stream.indirect.gather [hbm4b:s5+s17], $0x20, s12, s17, $0xb8;
	[tilespmem:$0x1A500] =	vst v63  }
0xfc: {  	s3 =	sadd.s32 $0x8, s29;
	s13 =	rddreg [dreg:$0x12]  }
0xfd: {  	[tilespmem:s9], [sflag:$0x1] =	stream.indirect.gather [hbm4b:s4+s15], $0x20, s3, s15, $0xb8;
	[tilespmem:$0x1A500] =	vst v63  }
0xfe: {  	s18 =	rddreg [dreg:$0x16]  }
0xff: {  	[tilespmem:s22], [sflag:$0x1] =	stream.indirect.gather [hbm4b:s5+s17], $0x20, s7, s17, $0xb8;
	[tilespmem:$0x1A500] =	vst v63  }
0x100: {  	s11 =	rddreg [dreg:$0x14]  }
0x101: {  	[tilespmem:s23], [sflag:$0x1] =	stream.indirect.gather [hbm4b:s5+s17], $0x20, s14, s17, $0xb8;
	[tilespmem:$0x1A500] =	vst v63  }
0x102: {  	s12 =	rddreg [dreg:$0x15]  }
0x103: {  	[tilespmem:s2], [sflag:$0x1] =	stream.indirect.gather [hbm4b:s5+s17], $0x20, s16, s17, $0xb8;
	[tilespmem:$0x1A500] =	vst v63  }
0x104: {  	s3 =	rddreg [dreg:$0x19]  }
0x105: {  	[tilespmem:s21], [sflag:$0x1] =	stream.indirect.gather [hbm4b:s5+s17], $0x20, s13, s17, $0xb8;
	[tilespmem:$0x1A500] =	vst v63  }
0x106: {  	s22 =	rddreg [dreg:$0x1a];
	s23 =	sadd.s32 $0x10, s29  }
0x107: {  	[tilespmem:s11], [sflag:$0x1] =	stream.indirect.gather [hbm4b:s4+s15], $0x20, s23, s15, $0xb8;
	[tilespmem:$0x1A500] =	vst v63  }
0x108: {  	s14 =	rddreg [dreg:$0x1b]  }
0x109: {  	[tilespmem:s18], [sflag:$0x1] =	stream.indirect.gather [hbm4b:s5+s17], $0x20, s12, s17, $0xb8;
	[tilespmem:$0x1A500] =	vst v63  }
0x10a: {  	s16 =	rddreg [dreg:$0x1f]  }
0x10b: {  	[tilespmem:s8], [sflag:$0x1] =	stream.indirect.gather [hbm4b:s5+s17], $0x20, s20, s17, $0xb8;
	[tilespmem:$0x1A500] =	vst v63  }
0x10c: {  	s23 =	sld [smem:$0x7D4]  }
0x10d: {  	[tilespmem:s22], [sflag:$0x1] =	stream.indirect.gather [hbm4b:s5+s17], $0x20, s3, s17, $0xb8;
	[tilespmem:$0x1A500] =	vst v63  }
0x10e: {  	s18 =	rddreg [dreg:$0x1d]  }
0x10f: {  	[tilespmem:s6], [sflag:$0x1] =	stream.indirect.gather [hbm4b:s5+s17], $0x20, s14, s17, $0xb8;
	[tilespmem:$0x1A500] =	vst v63  }
0x110: {  	s21 =	sadd.s32 $0x18, s29;
	s20 =	rddreg [dreg:$0x1e]  }
0x111: {  	[tilespmem:s18], [sflag:$0x1] =	stream.indirect.gather [hbm4b:s4+s15], $0x20, s21, s15, $0xb8;
	[tilespmem:$0x1A500] =	vst v63  }
0x112: {  	s22 =	sld [smem:$0x7D1]  }
0x113: {  	[tilespmem:s16], [sflag:$0x1] =	stream.indirect.gather [hbm4b:s5+s17], $0x20, s20, s17, $0xb8;
	[tilespmem:$0x1A500] =	vst v63  }
0x114: {  	s3 =	sld [smem:$0x7D3]  }
0x115: {  	[tilespmem:s1], [sflag:$0x1] =	stream.indirect.gather [hbm4b:s5+s17], $0x20, s22, s17, $0xb8;
	[tilespmem:$0x1A500] =	vst v63  }
0x116: {  	s7 =	sld [smem:$0x7D5]  }
0x117: {  	[tilespmem:s23], [sflag:$0x1] =	stream.indirect.gather [hbm4b:s5+s17], $0x20, s3, s17, $0xb8;
	[tilespmem:$0x1A500] =	vst v63  }
0x118: {  	s1 =	simm.s32 @!p1 $0x6  }
0x119: {  	[tilespmem:s0], [sflag:$0x1] =	stream.indirect.gather [hbm4b:s5+s17], $0x20, s7, s17, $0xb8;
	[tilespmem:$0x1A500] =	vst v63  }
0x11a: {  	_ =	swait.ge @!p1 [sflag:s1], $0xCA00  }
0x11b: {  	[sflag:s1] =	ssyncset.done @!p1 $0x0  }
0x11c: {  	[sflag:s1] =	ssyncadd.s32 @!p1 $0xFFFF3600  }
0x11d: {  	_ =	swait.ge [sflag:s15], $0x680  }
0x11e: {  	s1 =	sld [smem:$0x7F6]  }
0x11f: {  	s31 =	sld [smem:$0x7FD]  }
0x120: {  	s7 =	sld [smem:$0x7E0]  }
0x121: {  	s9 =	sld [smem:$0x7EA]  }
0x122: {  	s0 =	sld [smem:$0x7F7]  }
0x123: {  	s10 =	sld [smem:$0x7E5]  }
0x124: {  	s11 =	sld [smem:$0x7E2]  }
0x125: {  	s12 =	sld [smem:$0x7E4]  }
0x126: {  	s13 =	sld [smem:$0x7DD]  }
0x127: {  	s14 =	sld [smem:$0x7DC]  }
0x128: {  	s16 =	sld [smem:$0x7D8]  }
0x129: {  	s18 =	sld [smem:$0x7DA]  }
0x12a: {  	s21 =	sld [smem:$0x7D9]  }
0x12b: {  	s8 =	sadd.s32 $0x20, s29;
	[sflag:s15] =	ssyncset.done $0x0;
	s22 =	sld [smem:$0x7DB]  }
0x12c: {  	s20 =	simm.s32 $0xDB00;
	s2 =	sld [smem:$0x7D7];
	[sflag:s15] =	ssyncadd.s32 $0xFFFFF980  }
0x12d: {  	[tilespmem:s20], [sflag:$0x2] =	stream.indirect.gather [hbm4b:s4+s15], $0x20, s8, s15, $0xb8;
	[tilespmem:$0x1A500] =	vst v63  }
0x12e: {  	s3 =	simm.s32 $0xA80;
	s6 =	sld [smem:$0x7F4]  }
0x12f: {  	[tilespmem:s2], [sflag:$0x2] =	stream.indirect.gather [hbm4b:s5+s17], $0x20, s3, s17, $0xb8;
	[tilespmem:$0x1A500] =	vst v63  }
0x130: {  	s8 =	sld [smem:$0x7F5]  }
0x131: {  	[tilespmem:s21], [sflag:$0x2] =	stream.indirect.gather [hbm4b:s5+s17], $0x20, s16, s17, $0xb8;
	[tilespmem:$0x1A500] =	vst v63  }
0x132: {  	s16 =	sld [smem:$0x7DE]  }
0x133: {  	[tilespmem:s22], [sflag:$0x2] =	stream.indirect.gather [hbm4b:s5+s17], $0x20, s18, s17, $0xb8;
	[tilespmem:$0x1A500] =	vst v63  }
0x134: {  	s21 =	sld [smem:$0x7EE]  }
0x135: {  	[tilespmem:s13], [sflag:$0x2] =	stream.indirect.gather [hbm4b:s5+s17], $0x20, s14, s17, $0xb8;
	[tilespmem:$0x1A500] =	vst v63  }
0x136: {  	s3 =	sadd.s32 $0x28, s29;
	s14 =	sld [smem:$0x7DF]  }
0x137: {  	[tilespmem:s16], [sflag:$0x2] =	stream.indirect.gather [hbm4b:s4+s15], $0x20, s3, s15, $0xb8;
	[tilespmem:$0x1A500] =	vst v63  }
0x138: {  	s22 =	sld [smem:$0x7E1]  }
0x139: {  	[tilespmem:s7], [sflag:$0x2] =	stream.indirect.gather [hbm4b:s5+s17], $0x20, s14, s17, $0xb8;
	[tilespmem:$0x1A500] =	vst v63  }
0x13a: {  	s3 =	sld [smem:$0x7E3]  }
0x13b: {  	[tilespmem:s11], [sflag:$0x2] =	stream.indirect.gather [hbm4b:s5+s17], $0x20, s22, s17, $0xb8;
	[tilespmem:$0x1A500] =	vst v63  }
0x13c: {  	s18 =	sld [smem:$0x7E6]  }
0x13d: {  	[tilespmem:s12], [sflag:$0x2] =	stream.indirect.gather [hbm4b:s5+s17], $0x20, s3, s17, $0xb8;
	[tilespmem:$0x1A500] =	vst v63  }
0x13e: {  	s26 =	sadd.s32 $0x100, s26;
	s25 =	smov.u32 s30;
	s3 =	sld [smem:$0x7E7]  }
0x13f: {  	[tilespmem:s18], [sflag:$0x2] =	stream.indirect.gather [hbm4b:s5+s17], $0x20, s10, s17, $0xb8;
	[tilespmem:$0x1A500] =	vst v63  }
0x140: {  	s30 =	sadd.s32 $0x2, s30;
	s14 =	sld [smem:$0x7E8];
	s22 =	sadd.s32 $0x30, s29  }
0x141: {  	[tilespmem:s3], [sflag:$0x2] =	stream.indirect.gather [hbm4b:s4+s15], $0x20, s22, s15, $0xb8;
	[tilespmem:$0x1A500] =	vst v63  }
0x142: {  	p0 =	sne.s32 s26, $0x1000;
	s24 =	smov.u32 s28;
	s18 =	sld [smem:$0x7EB]  }
0x143: {  	[tilespmem:s9], [sflag:$0x2] =	stream.indirect.gather [hbm4b:s5+s17], $0x20, s14, s17, $0xb8;
	[tilespmem:$0x1A500] =	vst v63  }
.Ltmp0:
0x144: {  	s28 =	sadd.s32 $0x3280, s28;
	s2 =	sld [smem:$0x7F1];
	(pc) =	sbr.rel @p0 .LBB2_2-.Ltmp0, $4  }
0x145: {  	s23 =	simm.s32 $0xDB00;
	s20 =	simm.s32 $0xA80;
	s22 =	sld [smem:$0x7EF]  }
0x146: {  	[tilespmem:s21], [sflag:$0x2] =	stream.indirect.gather [hbm4b:s5+s17], $0x20, s18, s17, $0xb8;
	[tilespmem:$0x1A500] =	vst v63  }
0x147: {  	s13 =	simm.s32 $0x1;
	s16 =	simm.s32 $0x2;
	s9 =	sld [smem:$0x7F2]  }
0x148: {  	[tilespmem:s2], [sflag:$0x2] =	stream.indirect.gather [hbm4b:s5+s17], $0x20, s22, s17, $0xb8;
	[tilespmem:$0x1A500] =	vst v63  }
0x149: {  	s30 =	sld [smem:$0x7F9]  }
0x14a: {  	[tilespmem:s6], [sflag:$0x2] =	stream.indirect.gather [hbm4b:s5+s17], $0x20, s9, s17, $0xb8;
	[tilespmem:$0x1A500] =	vst v63  }
0x14b: {  	s2 =	sadd.s32 $0x38, s29;
	s3 =	sld [smem:$0x7F8]  }
0x14c: {  	[tilespmem:s8], [sflag:$0x2] =	stream.indirect.gather [hbm4b:s4+s15], $0x20, s2, s15, $0xb8;
	[tilespmem:$0x1A500] =	vst v63  }
0x14d: {  	s7 =	sld [smem:$0x7FB]  }
0x14e: {  	[tilespmem:s0], [sflag:$0x2] =	stream.indirect.gather [hbm4b:s5+s17], $0x20, s1, s17, $0xb8;
	[tilespmem:$0x1A500] =	vst v63  }
0x14f: {  	s8 =	sld [smem:$0x7FA]  }
0x150: {  	[tilespmem:s30], [sflag:$0x2] =	stream.indirect.gather [hbm4b:s5+s17], $0x20, s3, s17, $0xb8;
	[tilespmem:$0x1A500] =	vst v63  }
0x151: {  	s9 =	sld [smem:$0x7FC]  }
0x152: {  	[tilespmem:s7], [sflag:$0x2] =	stream.indirect.gather [hbm4b:s5+s17], $0x20, s8, s17, $0xb8;
	[tilespmem:$0x1A500] =	vst v63  }
0x153: {  	_ = 	snop  }
0x154: {  	[tilespmem:s31], [sflag:$0x2] =	stream.indirect.gather [hbm4b:s5+s17], $0x20, s9, s17, $0xb8;
	[tilespmem:$0x1A500] =	vst v63  }
0x155: {  	_ =	swait.ge [sflag:s13], $0xCA00  }
0x156: {  	s11 =	smin.u32 s25, $0x1D;
	s10 =	rddreg [dreg:$0x2]  }
0x157: {  	s12 =	simm.s32 $0x0;
	[sflag:s13] =	ssyncset.done $0x0;
	s0 =	sadd.s32 s11, s10  }
0x158: {  	s14 =	simm.s32 $0x1100;
	[sflag:s13] =	ssyncadd.s32 $0xFFFF3600;
	s0 =	smul.u32 $0xD0, s0  }
0x159: {  	[hbm4b:s24+s12] =	stream.linear.scatter [tilespmem:s14], [sflag:$0x5], $0xCA00, $0x38;
	[tilespmem:$0x1A500] =	vst v63  }
0x15a: {  	s18 =	simm.s32 $0x400;
	s0 =	sadd.s32 s19, s0  }
0x15b: {  	[tilespmem:s18], [sflag:$0x3] =	stream.linear.gather [hbm4b:s0+s12], $0x680, $0x38;
	[tilespmem:$0x1A500] =	vst v63  }
0x15c: {  	_ =	swait.ge [sflag:s16], $0xCA00  }
0x15d: {  	s22 =	smin.u32 s25, $0x1C;
	s21 =	rddreg [dreg:$0x3]  }
0x15e: {  	[sflag:s16] =	ssyncset.done $0x0;
	s0 =	sadd.s32 s22, s21  }
0x15f: {  	s25 =	sadd.s32 $0x1940, s24;
	[sflag:s16] =	ssyncadd.s32 $0xFFFF3600;
	s0 =	smul.u32 $0xD0, s0  }
0x160: {  	[hbm4b:s25+s12] =	stream.linear.scatter [tilespmem:s23], [sflag:$0x6], $0xCA00, $0x38;
	[tilespmem:$0x1A500] =	vst v63  }
0x161: {  	s26 =	simm.s32 $0x3;
	s0 =	sadd.s32 s19, s0  }
0x162: {  	[tilespmem:s20], [sflag:$0x4] =	stream.linear.gather [hbm4b:s0+s12], $0x680, $0x38;
	[tilespmem:$0x1A500] =	vst v63  }
0x163: {  	_ =	swait.ge [sflag:s26], $0x680  }
0x164: {  	[sflag:s26] =	ssyncset.done $0x0  }
0x165: {  	s28 =	simm.s32 $0x5;
	[sflag:s26] =	ssyncadd.s32 $0xFFFFF980  }
0x166: {  	_ =	swait.ge [sflag:s28], $0xCA00  }
0x167: {  	[sflag:s28] =	ssyncset.done $0x0  }
0x168: {  	[sflag:s28] =	ssyncadd.s32 $0xFFFF3600  }
0x169: {  	_ =	swait.ge [sflag:s15], $0x680  }
0x16a: {  	[sflag:s15] =	ssyncset.done $0x0  }
0x16b: {  	s29 =	simm.s32 $0x6;
	[sflag:s15] =	ssyncadd.s32 $0xFFFFF980  }
0x16c: {  	_ =	swait.ge [sflag:s29], $0xCA00  }
0x16d: {  	s30 =	sld [smem:$0x7D0]  }
0x16e: {  	s31 =	sld [smem:$0x7F0];
	_ =	sdelay $0x1  }
0x16f: {  	s2 =	sadd.s32 $0x1, s30  }
0x170: {  	p0 =	sne.s32 s2, s31  }
.Ltmp1:
0x171: {  	_ = 	snop;
	(pc) =	sbr.rel @p0 .LBB2_1-.Ltmp1, $3  }
0x172: {  	_ =	sdelay $0x1  }
0x173: {  	[sflag:s29] =	ssyncset.done $0x0  }
0x174: {  	[sflag:s29] =	ssyncadd.s32 $0xFFFF3600  }
0x175: {  	_ =	sfence.sel $0x180000  }
0x176: {  	[bflag:$0x0] =	sbarrier.arrive $0xFFFF  }
0x177: {  	_ =	strace $0x90000047  }
0x178: {  	s0 =	stileid.u32;
	[bflag:$0x2] =	sbarrier.arrive $0xFFFF  }
0x179: {  	p0 =	sne.s32 s0, $0x0;
	s0 =	rddreg [dreg:$0x1]  }
0x17a: {  	s0 =	sadd.s32 @!p0 $0x100000, s0  }
0x17b: {  	[sflag:s0] =	ssyncadd.tile.s32 @!p0 $0x1;
	_ =	shalt  }
.Lfunc_end2:
_tile_overlayer_lowered:
.L_overlay_start_2:
0x17c: {  	(tag) =	ssettag $0x2  }
0x17d: {  	s0 =	rddreg [dreg:$0x0];
	s2 =	stileid.u32  }
0x17e: {  	s1 =	rddreg [dreg:$0x1];
	p0 =	sne.s32 s2, $0x0  }
0x17f: {  	s3 =	rddreg [dreg:$0x2];
	[bflag:$0x3] =	sbarrier.arrive $0xFFFF;
	s2 =	simm.s32 @!p0 $0x1C07  }
0x180: {  	[timem:s3], [sflag:s2] =	dma.local @!p0 [hbm:s0], s1  }
0x181: {  	s0 =	simm.s32 @!p0 $0x7  }
0x182: {  	_ =	swait.ge @!p0 [sflag:s0], s1  }
0x183: {  	s1 =	ssub.s32 @!p0 $0x0, s1;
	[sflag:s0] =	ssyncset.done @!p0 $0x0  }
0x184: {  	[sflag:s0] =	ssyncadd.s32 @!p0 s1  }
0x185: {  	[bflag:$0x3] =	sbarrier.arrive $0xFFFF  }
0x186: {  	_ =	shalt  }

</sc_bundles>
